<compile_context>
chip_gen: v7x
topology: tpu7x:2x2x1
jax: 0.10.2.dev20260603
libtpu: 0.0.44.dev20260713+nightly
codegen_flags: <defaults>
</compile_context>

<pallas_src>
import functools

import jax
import jax.numpy as jnp
import numpy as np
from jax import lax
from jax.experimental import pallas as pl
from jax.experimental.pallas import tpu as pltpu
from jax.experimental.pallas import tpu_sc as plsc

N = 10000
DM = 256
NH = 8
DK = 32
HH = 4
E = 160000
SCALE = 1.0 / np.sqrt(DK)

U_W = 128
ACC_W = 144

NTILES = 16
B = 32
EPT = 10240
NB = EPT // B
EPAD = EPT * NTILES
ACC_ROWS = N
ROWS_PT = ACC_ROWS // NTILES

TCB = 400


def _tc_pre_body(x_ref, wqkv_ref, wgate_ref, bg_ref, u_ref, g_ref):
    x = x_ref[...]
    xw = jnp.dot(x, wqkv_ref[...], preferred_element_type=jnp.float32)
    g_ref[...] = jax.nn.sigmoid(
        jnp.dot(x, wgate_ref[...], preferred_element_type=jnp.float32)
        + bg_ref[...])
    u_ref[0] = xw[:, 0:128]
    u_ref[1] = xw[:, 128:256]
    u_ref[2] = xw[:, 256:384]
    u_ref[3] = xw[:, 384:512]
    u_ref[4] = xw[:, 512:640]
    u_ref[5] = xw[:, 640:768]


def _tc_pre(X, W_qkv, W_gate, b_gate):
    grid = (N // TCB,)
    return pl.pallas_call(
        _tc_pre_body,
        grid=grid,
        in_specs=[
            pl.BlockSpec((TCB, DM), lambda i: (i, 0)),
            pl.BlockSpec((DM, 3 * DM), lambda i: (0, 0)),
            pl.BlockSpec((DM, DM), lambda i: (0, 0)),
            pl.BlockSpec((1, DM), lambda i: (0, 0)),
        ],
        out_specs=[
            pl.BlockSpec((6, TCB, U_W), lambda i: (0, i, 0)),
            pl.BlockSpec((TCB, DM), lambda i: (i, 0)),
        ],
        out_shape=[
            jax.ShapeDtypeStruct((6, N, U_W), jnp.float32),
            jax.ShapeDtypeStruct((N, DM), jnp.float32),
        ],
    )(X, W_qkv, W_gate, b_gate.reshape(1, DM))


def _tc_post_body(acc_ref, g_ref, wo_ref, y_ref):
    colh = lax.broadcasted_iota(jnp.int32, (TCB, 128), 1) // DK

    def expand(sm):
        d = jnp.broadcast_to(sm[:, 0:1], (TCB, 128))
        for h in range(1, HH):
            d = jnp.where(colh == h, jnp.broadcast_to(sm[:, h:h + 1], (TCB, 128)), d)
        return d

    a0 = acc_ref[0]
    a1 = acc_ref[1]
    o0 = a0[:, 0:128] / (expand(a0[:, 128:132]) + 1e-12)
    o1 = a1[:, 0:128] / (expand(a1[:, 128:132]) + 1e-12)
    y = jnp.concatenate([o0, o1], axis=1) * g_ref[...]
    y_ref[...] = jnp.dot(y, wo_ref[...], preferred_element_type=jnp.float32)


def _tc_post(acc, gate, W_o):
    grid = (N // TCB,)
    return pl.pallas_call(
        _tc_post_body,
        grid=grid,
        in_specs=[
            pl.BlockSpec((2, TCB, ACC_W), lambda i: (0, i, 0)),
            pl.BlockSpec((TCB, DM), lambda i: (i, 0)),
            pl.BlockSpec((DM, DM), lambda i: (0, 0)),
        ],
        out_specs=pl.BlockSpec((TCB, DM), lambda i: (i, 0)),
        out_shape=jax.ShapeDtypeStruct((N, DM), jnp.float32),
    )(acc, gate, W_o)


def _sc_edge_body(u_hbm, meta_hbm, zero_hbm, out_hbm,
                  mv0, mv1, ix0, ix1, ub0, ub1, out0, out1, sc0, sc1,
                  vc0, vc1, acc_sh, gu0, gu1, si0, si1, ss0, ss1):
    c = lax.axis_index("c")
    t = lax.axis_index("s")
    coff = c * N
    acc_off = c * ACC_ROWS
    mvv, ixv, ubv = [mv0, mv1], [ix0, ix1], [ub0, ub1]
    outv, scv, vcv = [out0, out1], [sc0, sc1], [vc0, vc1]
    gu, si, ss = [gu0, gu1], [si0, si1], [ss0, ss1]
    lane = lax.broadcasted_iota(jnp.int32, (16,), 0)
    NG = B // 16

    pltpu.sync_copy(zero_hbm.at[pl.ds(t * ROWS_PT, ROWS_PT)],
                    acc_sh.at[pl.ds(t * ROWS_PT, ROWS_PT)])
    plsc.subcore_barrier()

    def start_meta(b, k):
        pltpu.async_copy(meta_hbm.at[pl.ds((t * NB + b) * 3 * B, 3 * B)],
                         mvv[k], si[k])

    def wait_meta(b, k):
        pltpu.make_async_copy(meta_hbm.at[pl.ds((t * NB + b) * 3 * B, 3 * B)],
                              mvv[k], si[k]).wait()

    def build_idx(k):
        for j in range(NG):
            sl = pl.ds(j * 16, 16)
            s = mvv[k][sl]
            d = mvv[k][pl.ds(B + j * 16, 16)]
            ixv[k][sl] = s + coff
            ixv[k][pl.ds(B + j * 16, 16)] = d + (2 * N + coff)
            ixv[k][pl.ds(2 * B + j * 16, 16)] = d + (4 * N + coff)

    def start_gather(k):
        pltpu.async_copy(u_hbm.at[ixv[k]], ubv[k], gu[k])

    def wait_gather(k):
        pltpu.make_async_copy(u_hbm.at[ixv[k]], ubv[k], gu[k]).wait()

    def wait_scatter(k):
        pltpu.make_async_copy(outv[k], acc_sh.at[scv[k]], ss[k]).wait()

    def compute(k):
        u_v = ubv[k]
        out_v = outv[k]

        def group(g, _):
            ev = lane + g * 16
            ekv = ev + B
            evv = ev + 2 * B
            val = vcv[k][pl.ds(g * 16, 16)]
            zero16 = jnp.zeros((16,), jnp.float32)

            def dotstep(j, accs):
                out = list(accs)
                for jj in range(2):
                    rot = jnp.bitwise_and(lane + (j * 2 + jj), DK - 1)
                    for h in range(HH):
                        col = rot + h * DK
                        qc = plsc.load_gather(u_v, [ev, col])
                        kc = plsc.load_gather(u_v, [ekv, col])
                        out[h] = out[h] + qc * kc
                return tuple(out)

            accs = lax.fori_loop(0, DK // 2, dotstep,
                                 (zero16, zero16, zero16, zero16))
            ps = []
            for h in range(HH):
                p = jnp.exp(accs[h] * SCALE) * val
                ps.append(p)
                plsc.store_scatter(out_v, [ev, jnp.full((16,), 128 + h, jnp.int32)], p)

            def vstep(j, _):
                for jj in range(2):
                    rot = jnp.bitwise_and(lane + (j * 2 + jj), DK - 1)
                    for h in range(HH):
                        cc = rot + h * DK
                        vcol = plsc.load_gather(u_v, [evv, cc])
                        plsc.store_scatter(out_v, [ev, cc], vcol * ps[h])
                return 0

            lax.fori_loop(0, DK // 2, vstep, 0)
            return 0
        lax.fori_loop(0, NG, group, 0)

    for k in range(2):
        start_meta(k, k)
        wait_meta(k, k)
        build_idx(k)
        start_gather(k)

    def iter_i(i, _):
        for ph in range(2):
            b = 2 * i + ph
            k = ph
            wait_gather(k)

            @pl.when(b >= 2)
            def _():
                wait_scatter(k)

            for j in range(NG):
                sl = pl.ds(j * 16, 16)
                scv[k][sl] = mvv[k][sl]
                vcv[k][sl] = plsc.bitcast(mvv[k][pl.ds(2 * B + j * 16, 16)],
                                          jnp.float32)

            @pl.when(b + 2 < NB)
            def _():
                start_meta(b + 2, k)

            compute(k)
            pltpu.async_copy(outv[k], acc_sh.at[scv[k]], ss[k], add=True)

            @pl.when(b + 2 < NB)
            def _():
                wait_meta(b + 2, k)
                build_idx(k)
                start_gather(k)
        return 0

    lax.fori_loop(0, NB // 2, iter_i, 0)
    wait_scatter(0)
    wait_scatter(1)
    plsc.subcore_barrier()

    pltpu.sync_copy(acc_sh.at[pl.ds(t * ROWS_PT, ROWS_PT)],
                    out_hbm.at[pl.ds(acc_off + t * ROWS_PT, ROWS_PT)])


def _sc_edges(u2, meta, zeros):
    mesh = plsc.VectorSubcoreMesh(core_axis_name="c", subcore_axis_name="s")
    fn = functools.partial(
        pl.kernel,
        out_type=jax.ShapeDtypeStruct((2 * ACC_ROWS, ACC_W), jnp.float32),
        mesh=mesh,
        compiler_params=pltpu.CompilerParams(needs_layout_passes=False,
                                             use_tc_tiling_on_sc=False),
        scratch_types=[
            pltpu.VMEM((3 * B,), jnp.int32),
            pltpu.VMEM((3 * B,), jnp.int32),
            pltpu.VMEM((3 * B,), jnp.int32),
            pltpu.VMEM((3 * B,), jnp.int32),
            pltpu.VMEM((3 * B, U_W), jnp.float32),
            pltpu.VMEM((3 * B, U_W), jnp.float32),
            pltpu.VMEM((B, ACC_W), jnp.float32),
            pltpu.VMEM((B, ACC_W), jnp.float32),
            pltpu.VMEM((B,), jnp.int32),
            pltpu.VMEM((B,), jnp.int32),
            pltpu.VMEM((B,), jnp.float32),
            pltpu.VMEM((B,), jnp.float32),
            pltpu.VMEM_SHARED((ACC_ROWS, ACC_W), jnp.float32),
            pltpu.SemaphoreType.DMA,
            pltpu.SemaphoreType.DMA,
            pltpu.SemaphoreType.DMA,
            pltpu.SemaphoreType.DMA,
            pltpu.SemaphoreType.DMA,
            pltpu.SemaphoreType.DMA,
        ],
    )(_sc_edge_body)
    return fn(u2, meta, zeros)


def kernel(X, nbr_src, nbr_dst, num_cells, W_qkv, W_bias, W_gate, b_gate, W_o):
    del num_cells
    del W_bias
    src = jnp.pad(nbr_src.astype(jnp.int32), (0, EPAD - E))
    dst = jnp.pad(nbr_dst.astype(jnp.int32), (0, EPAD - E))
    valid = (jnp.arange(EPAD, dtype=jnp.int32) < E).astype(jnp.float32)
    meta = jnp.stack([src.reshape(-1, B), dst.reshape(-1, B),
                      valid.view(jnp.int32).reshape(-1, B)],
                     axis=1).reshape(-1)

    u, gate = _tc_pre(X, W_qkv, W_gate, b_gate)
    acc = _sc_edges(u.reshape(6 * N, U_W), meta,
                    jnp.zeros((ACC_ROWS, ACC_W), jnp.float32))
    return _tc_post(acc.reshape(2, ACC_ROWS, ACC_W), gate, W_o)

# --- scband reference (transcript-rebuilt; emitter-appended) ---
"""Pipeline reference for scband-sparse-neighbourhood-self-attn-32444182954023 (READ-ONLY COPY).

The authoritative reference and input builder live on the scoring server;
editing this copy changes nothing except your own understanding.
"""

import jax, jax.numpy as jnp
import numpy as np

D_MODEL = 256
N_HEADS = 8
D_K = D_MODEL // N_HEADS
N_NODES = 10000
N_EDGES = 160000


def setup_inputs(seed: int = 0) -> dict:
    key = jax.random.key(seed)
    ks = jax.random.split(key, 9)
    X = jax.random.normal(ks[0], (N_NODES, D_MODEL), dtype=jnp.float32)
    nbr_src = jax.random.randint(ks[1], (N_EDGES,), 0, N_NODES, dtype=jnp.int32).astype(jnp.int64)
    nbr_dst = jax.random.randint(ks[2], (N_EDGES,), 0, N_NODES, dtype=jnp.int32).astype(jnp.int64)
    s = 1.0 / np.sqrt(D_MODEL)
    W_qkv = jax.random.normal(ks[3], (D_MODEL, 3 * D_MODEL), dtype=jnp.float32) * s
    W_bias = jax.random.normal(ks[4], (D_MODEL, N_HEADS), dtype=jnp.float32) * s
    W_gate = jax.random.normal(ks[5], (D_MODEL, D_MODEL), dtype=jnp.float32) * s
    b_gate = jnp.zeros((D_MODEL,), dtype=jnp.float32)
    W_o = jax.random.normal(ks[6], (D_MODEL, D_MODEL), dtype=jnp.float32) * s
    return {"X": X, "nbr_src": nbr_src, "nbr_dst": nbr_dst, "num_cells": N_NODES,
            "W_qkv": W_qkv, "W_bias": W_bias, "W_gate": W_gate, "b_gate": b_gate, "W_o": W_o}


def reference(X, nbr_src, nbr_dst, num_cells, W_qkv, W_bias, W_gate, b_gate, W_o):
    H, dk = N_HEADS, D_K
    scale = 1.0 / np.sqrt(dk)
    num_segments = X.shape[0]
    floor = -1e9 * (jnp.asarray(num_cells, dtype=jnp.float32) / num_segments)
    qkv = (X @ W_qkv).reshape(-1, 3, H, dk)
    Q, K, V = qkv[:, 0], qkv[:, 1], qkv[:, 2]
    gate = jax.nn.sigmoid(X @ W_gate + b_gate).reshape(-1, H, dk)
    bias = (X @ W_bias)[nbr_src]
    scores = (Q[nbr_src] * K[nbr_dst]).sum(-1) * scale + bias  # [E, H]
    # scatter softmax over nbr_src segments
    mx = jnp.maximum(jax.ops.segment_max(scores, nbr_src, num_segments=num_segments), floor)
    exp_s = jnp.exp(scores - mx[nbr_src])
    sm = jax.ops.segment_sum(exp_s, nbr_src, num_segments=num_segments)
    attn = exp_s / (sm[nbr_src] + 1e-12)  # dropout p=0.0 -> identity
    out = jax.ops.segment_sum(attn[..., None] * V[nbr_dst], nbr_src, num_segments=num_segments)
    return (gate * out).reshape(-1, D_MODEL) @ W_o

if __name__ == "__main__":
    import jax
    _d = setup_inputs()
    print(jax.jit(kernel)(*tuple(_d.values())))

</pallas_src>

<mosaic_0001>
#map = affine_map<(d0, d1) -> (0, 0)>
#map1 = affine_map<(d0, d1) -> (0)>
module attributes {stable_mosaic.version = 14 : i64} {
  func.func @_sc_edge_body(%arg0: i32, %arg1: i32, %arg2: memref<60000x128xf32, #tpu.memory_space<hbm>>, %arg3: memref<491520xi32, #tpu.memory_space<hbm>>, %arg4: memref<10000x144xf32, #tpu.memory_space<hbm>>, %arg5: memref<20000x144xf32, #tpu.memory_space<hbm>>, %arg6: memref<96xi32, #tpu.memory_space<vmem>>, %arg7: memref<96xi32, #tpu.memory_space<vmem>>, %arg8: memref<96xi32, #tpu.memory_space<vmem>>, %arg9: memref<96xi32, #tpu.memory_space<vmem>>, %arg10: memref<96x128xf32, #tpu.memory_space<vmem>>, %arg11: memref<96x128xf32, #tpu.memory_space<vmem>>, %arg12: memref<32x144xf32, #tpu.memory_space<vmem>>, %arg13: memref<32x144xf32, #tpu.memory_space<vmem>>, %arg14: memref<32xi32, #tpu.memory_space<vmem>>, %arg15: memref<32xi32, #tpu.memory_space<vmem>>, %arg16: memref<32xf32, #tpu.memory_space<vmem>>, %arg17: memref<32xf32, #tpu.memory_space<vmem>>, %arg18: memref<10000x144xf32, #tpu.memory_space<vmem_shared>>, %arg19: memref<!tpu.dma_semaphore, #tpu.memory_space<semaphore_mem>>, %arg20: memref<!tpu.dma_semaphore, #tpu.memory_space<semaphore_mem>>, %arg21: memref<!tpu.dma_semaphore, #tpu.memory_space<semaphore_mem>>, %arg22: memref<!tpu.dma_semaphore, #tpu.memory_space<semaphore_mem>>, %arg23: memref<!tpu.dma_semaphore, #tpu.memory_space<semaphore_mem>>, %arg24: memref<!tpu.dma_semaphore, #tpu.memory_space<semaphore_mem>>) attributes {dimension_semantics = [#tpu.dimension_semantics<core_parallel>, #tpu.dimension_semantics<subcore_parallel>], iteration_bounds = array<i64: 2, 16>, scalar_prefetch = 0 : i64, scratch_operands = 19 : i64, tpu.core_type = #tpu.core_type<sc_vector_subcore>, window_params = [{transform_indices = #map}, {transform_indices = #map1}, {transform_indices = #map}, {transform_indices = #map}]} {
    %mul3A = arith.constant 10000 : i32
    %mul3A_0 = arith.muli %arg0, %mul3A : i32
    %mul3A_1 = arith.constant 10000 : i32
    %mul3A_2 = arith.muli %arg0, %mul3A_1 : i32
    %iota3A = tpu.iota {dimensions = array<i32: 0>} : vector<16xi32>
    %mul3A_3 = arith.constant 625 : i32
    %mul3A_4 = arith.muli %arg1, %mul3A_3 : i32
    %mul3A_5 = arith.constant 625 : i32
    %mul3A_6 = arith.muli %arg1, %mul3A_5 : i32
    "tpu.region"() ({
      %run_scoped3A = tpu.sem_alloc : memref<!tpu.dma_semaphore, #tpu.memory_space<semaphore_mem>>
      %dma_start3A_146 = arith.constant 0 : i32
      %dma_start3A_147 = tpu.memref_slice %arg18[%mul3A_6, %dma_start3A_146] : memref<10000x144xf32, #tpu.memory_space<vmem_shared>> -> memref<625x144xf32, #tpu.memory_space<vmem_shared>>
      %dma_start3A_148 = arith.constant 0 : i32
      %dma_start3A_149 = tpu.memref_slice %arg4[%mul3A_4, %dma_start3A_148] : memref<10000x144xf32, #tpu.memory_space<hbm>> -> memref<625x144xf32, #tpu.memory_space<hbm>>
      tpu.enqueue_dma source(%dma_start3A_149 : memref<625x144xf32, #tpu.memory_space<hbm>>) target(%dma_start3A_147 : memref<625x144xf32, #tpu.memory_space<vmem_shared>>) target_semaphore(%run_scoped3A : memref<!tpu.dma_semaphore, #tpu.memory_space<semaphore_mem>>)
      %dma_wait3A_150 = arith.constant 0 : i32
      %dma_wait3A_151 = tpu.memref_slice %arg18[%mul3A_6, %dma_wait3A_150] : memref<10000x144xf32, #tpu.memory_space<vmem_shared>> -> memref<625x144xf32, #tpu.memory_space<vmem_shared>>
      %dma_wait3A_152 = arith.constant 0 : i32
      %dma_wait3A_153 = tpu.memref_slice %arg4[%mul3A_4, %dma_wait3A_152] : memref<10000x144xf32, #tpu.memory_space<hbm>> -> memref<625x144xf32, #tpu.memory_space<hbm>>
      tpu.wait_dma2 semaphore(%run_scoped3A : memref<!tpu.dma_semaphore, #tpu.memory_space<semaphore_mem>>) src(%dma_wait3A_153 : memref<625x144xf32, #tpu.memory_space<hbm>>) dst(%dma_wait3A_151 : memref<625x144xf32, #tpu.memory_space<vmem_shared>>)
      tpu.yield
    }) : () -> ()
    %barrier3A = arith.constant 0 : index
    tpu.barrier barrier_id(%barrier3A)
    %mul3A_7 = arith.constant 320 : i32
    %mul3A_8 = arith.muli %arg1, %mul3A_7 : i32
    %add3A = arith.constant 0 : i32
    %add3A_9 = arith.addi %mul3A_8, %add3A : i32
    %mul3A_10 = arith.constant 3 : i32
    %mul3A_11 = arith.muli %add3A_9, %mul3A_10 : i32
    %mul3A_12 = arith.constant 32 : i32
    %mul3A_13 = arith.muli %mul3A_11, %mul3A_12 : i32
    %dma_start3A = tpu.memref_slice %arg3[%mul3A_13] : memref<491520xi32, #tpu.memory_space<hbm>> -> memref<96xi32, #tpu.memory_space<hbm>>
    %dma_start3A_14 = tpu.memref_slice %arg3[%mul3A_13] : memref<491520xi32, #tpu.memory_space<hbm>> -> memref<96xi32, #tpu.memory_space<hbm>>
    tpu.enqueue_dma source(%dma_start3A_14 : memref<96xi32, #tpu.memory_space<hbm>>) target(%arg6 : memref<96xi32, #tpu.memory_space<vmem>>) target_semaphore(%arg21 : memref<!tpu.dma_semaphore, #tpu.memory_space<semaphore_mem>>)
    %mul3A_15 = arith.constant 320 : i32
    %mul3A_16 = arith.muli %arg1, %mul3A_15 : i32
    %add3A_17 = arith.constant 0 : i32
    %add3A_18 = arith.addi %mul3A_16, %add3A_17 : i32
    %mul3A_19 = arith.constant 3 : i32
    %mul3A_20 = arith.muli %add3A_18, %mul3A_19 : i32
    %mul3A_21 = arith.constant 32 : i32
    %mul3A_22 = arith.muli %mul3A_20, %mul3A_21 : i32
    %dma_wait3A = tpu.memref_slice %arg3[%mul3A_22] : memref<491520xi32, #tpu.memory_space<hbm>> -> memref<96xi32, #tpu.memory_space<hbm>>
    %dma_wait3A_23 = tpu.memref_slice %arg3[%mul3A_22] : memref<491520xi32, #tpu.memory_space<hbm>> -> memref<96xi32, #tpu.memory_space<hbm>>
    tpu.wait_dma2 semaphore(%arg21 : memref<!tpu.dma_semaphore, #tpu.memory_space<semaphore_mem>>) src(%dma_wait3A_23 : memref<96xi32, #tpu.memory_space<hbm>>) dst(%arg6 : memref<96xi32, #tpu.memory_space<vmem>>)
    %get3A = arith.constant 0 : index
    %get3A_24 = tpu.vector_load %arg6[%get3A] {strides = array<i32>} : memref<96xi32, #tpu.memory_space<vmem>>, vector<16xi32>,
    %get3A_25 = arith.constant 32 : index
    %get3A_26 = tpu.vector_load %arg6[%get3A_25] {strides = array<i32>} : memref<96xi32, #tpu.memory_space<vmem>>, vector<16xi32>,
    %add3A_27 = vector.broadcast %mul3A_0 : i32 to vector<16xi32>
    %add3A_28 = arith.addi %get3A_24, %add3A_27 : vector<16xi32>
    %swap3A = arith.constant 0 : index
    %swap3A_29 = tpu.vector_load %arg8[%swap3A] {strides = array<i32>} : memref<96xi32, #tpu.memory_space<vmem>>, vector<16xi32>,
    tpu.vector_store %arg8[%swap3A], %add3A_28 {strides = array<i32>} : memref<96xi32, #tpu.memory_space<vmem>>, vector<16xi32>,
    %add3A_30 = arith.constant 20000 : i32
    %add3A_31 = arith.addi %add3A_30, %mul3A_0 : i32
    %add3A_32 = vector.broadcast %add3A_31 : i32 to vector<16xi32>
    %add3A_33 = arith.addi %get3A_26, %add3A_32 : vector<16xi32>
    %swap3A_34 = arith.constant 32 : index
    %swap3A_35 = tpu.vector_load %arg8[%swap3A_34] {strides = array<i32>} : memref<96xi32, #tpu.memory_space<vmem>>, vector<16xi32>,
    tpu.vector_store %arg8[%swap3A_34], %add3A_33 {strides = array<i32>} : memref<96xi32, #tpu.memory_space<vmem>>, vector<16xi32>,
    %add3A_36 = arith.constant 40000 : i32
    %add3A_37 = arith.addi %add3A_36, %mul3A_0 : i32
    %add3A_38 = vector.broadcast %add3A_37 : i32 to vector<16xi32>
    %add3A_39 = arith.addi %get3A_26, %add3A_38 : vector<16xi32>
    %swap3A_40 = arith.constant 64 : index
    %swap3A_41 = tpu.vector_load %arg8[%swap3A_40] {strides = array<i32>} : memref<96xi32, #tpu.memory_space<vmem>>, vector<16xi32>,
    tpu.vector_store %arg8[%swap3A_40], %add3A_39 {strides = array<i32>} : memref<96xi32, #tpu.memory_space<vmem>>, vector<16xi32>,
    %get3A_42 = arith.constant 16 : index
    %get3A_43 = tpu.vector_load %arg6[%get3A_42] {strides = array<i32>} : memref<96xi32, #tpu.memory_space<vmem>>, vector<16xi32>,
    %get3A_44 = arith.constant 48 : index
    %get3A_45 = tpu.vector_load %arg6[%get3A_44] {strides = array<i32>} : memref<96xi32, #tpu.memory_space<vmem>>, vector<16xi32>,
    %add3A_46 = vector.broadcast %mul3A_0 : i32 to vector<16xi32>
    %add3A_47 = arith.addi %get3A_43, %add3A_46 : vector<16xi32>
    %swap3A_48 = arith.constant 16 : index
    %swap3A_49 = tpu.vector_load %arg8[%swap3A_48] {strides = array<i32>} : memref<96xi32, #tpu.memory_space<vmem>>, vector<16xi32>,
    tpu.vector_store %arg8[%swap3A_48], %add3A_47 {strides = array<i32>} : memref<96xi32, #tpu.memory_space<vmem>>, vector<16xi32>,
    %add3A_50 = arith.constant 20000 : i32
    %add3A_51 = arith.addi %add3A_50, %mul3A_0 : i32
    %add3A_52 = vector.broadcast %add3A_51 : i32 to vector<16xi32>
    %add3A_53 = arith.addi %get3A_45, %add3A_52 : vector<16xi32>
    %swap3A_54 = arith.constant 48 : index
    %swap3A_55 = tpu.vector_load %arg8[%swap3A_54] {strides = array<i32>} : memref<96xi32, #tpu.memory_space<vmem>>, vector<16xi32>,
    tpu.vector_store %arg8[%swap3A_54], %add3A_53 {strides = array<i32>} : memref<96xi32, #tpu.memory_space<vmem>>, vector<16xi32>,
    %add3A_56 = arith.constant 40000 : i32
    %add3A_57 = arith.addi %add3A_56, %mul3A_0 : i32
    %add3A_58 = vector.broadcast %add3A_57 : i32 to vector<16xi32>
    %add3A_59 = arith.addi %get3A_45, %add3A_58 : vector<16xi32>
    %swap3A_60 = arith.constant 80 : index
    %swap3A_61 = tpu.vector_load %arg8[%swap3A_60] {strides = array<i32>} : memref<96xi32, #tpu.memory_space<vmem>>, vector<16xi32>,
    tpu.vector_store %arg8[%swap3A_60], %add3A_59 {strides = array<i32>} : memref<96xi32, #tpu.memory_space<vmem>>, vector<16xi32>,
    %dma_start3A_62 = arith.constant 0 : i32
    %dma_start3A_63 = arith.constant 0 : i32
    %dma_start3A_64 = tpu.memref_slice %arg2[%dma_start3A_62, %dma_start3A_63] : memref<60000x128xf32, #tpu.memory_space<hbm>> -> memref<60000x128xf32, #tpu.memory_space<hbm>>
    tpu.enqueue_indirect_dma source(%dma_start3A_64 : memref<60000x128xf32, #tpu.memory_space<hbm>>) target(%arg10 : memref<96x128xf32, #tpu.memory_space<vmem>>) offsets(%arg8 : memref<96xi32, #tpu.memory_space<vmem>>) semaphore(%arg19 : memref<!tpu.dma_semaphore, #tpu.memory_space<semaphore_mem>>)
    %mul3A_65 = arith.constant 320 : i32
    %mul3A_66 = arith.muli %arg1, %mul3A_65 : i32
    %add3A_67 = arith.constant 1 : i32
    %add3A_68 = arith.addi %mul3A_66, %add3A_67 : i32
    %mul3A_69 = arith.constant 3 : i32
    %mul3A_70 = arith.muli %add3A_68, %mul3A_69 : i32
    %mul3A_71 = arith.constant 32 : i32
    %mul3A_72 = arith.muli %mul3A_70, %mul3A_71 : i32
    %dma_start3A_73 = tpu.memref_slice %arg3[%mul3A_72] : memref<491520xi32, #tpu.memory_space<hbm>> -> memref<96xi32, #tpu.memory_space<hbm>>
    %dma_start3A_74 = tpu.memref_slice %arg3[%mul3A_72] : memref<491520xi32, #tpu.memory_space<hbm>> -> memref<96xi32, #tpu.memory_space<hbm>>
    tpu.enqueue_dma source(%dma_start3A_74 : memref<96xi32, #tpu.memory_space<hbm>>) target(%arg7 : memref<96xi32, #tpu.memory_space<vmem>>) target_semaphore(%arg22 : memref<!tpu.dma_semaphore, #tpu.memory_space<semaphore_mem>>)
    %mul3A_75 = arith.constant 320 : i32
    %mul3A_76 = arith.muli %arg1, %mul3A_75 : i32
    %add3A_77 = arith.constant 1 : i32
    %add3A_78 = arith.addi %mul3A_76, %add3A_77 : i32
    %mul3A_79 = arith.constant 3 : i32
    %mul3A_80 = arith.muli %add3A_78, %mul3A_79 : i32
    %mul3A_81 = arith.constant 32 : i32
    %mul3A_82 = arith.muli %mul3A_80, %mul3A_81 : i32
    %dma_wait3A_83 = tpu.memref_slice %arg3[%mul3A_82] : memref<491520xi32, #tpu.memory_space<hbm>> -> memref<96xi32, #tpu.memory_space<hbm>>
    %dma_wait3A_84 = tpu.memref_slice %arg3[%mul3A_82] : memref<491520xi32, #tpu.memory_space<hbm>> -> memref<96xi32, #tpu.memory_space<hbm>>
    tpu.wait_dma2 semaphore(%arg22 : memref<!tpu.dma_semaphore, #tpu.memory_space<semaphore_mem>>) src(%dma_wait3A_84 : memref<96xi32, #tpu.memory_space<hbm>>) dst(%arg7 : memref<96xi32, #tpu.memory_space<vmem>>)
    %get3A_85 = arith.constant 0 : index
    %get3A_86 = tpu.vector_load %arg7[%get3A_85] {strides = array<i32>} : memref<96xi32, #tpu.memory_space<vmem>>, vector<16xi32>,
    %get3A_87 = arith.constant 32 : index
    %get3A_88 = tpu.vector_load %arg7[%get3A_87] {strides = array<i32>} : memref<96xi32, #tpu.memory_space<vmem>>, vector<16xi32>,
    %add3A_89 = vector.broadcast %mul3A_0 : i32 to vector<16xi32>
    %add3A_90 = arith.addi %get3A_86, %add3A_89 : vector<16xi32>
    %swap3A_91 = arith.constant 0 : index
    %swap3A_92 = tpu.vector_load %arg9[%swap3A_91] {strides = array<i32>} : memref<96xi32, #tpu.memory_space<vmem>>, vector<16xi32>,
    tpu.vector_store %arg9[%swap3A_91], %add3A_90 {strides = array<i32>} : memref<96xi32, #tpu.memory_space<vmem>>, vector<16xi32>,
    %add3A_93 = arith.constant 20000 : i32
    %add3A_94 = arith.addi %add3A_93, %mul3A_0 : i32
    %add3A_95 = vector.broadcast %add3A_94 : i32 to vector<16xi32>
    %add3A_96 = arith.addi %get3A_88, %add3A_95 : vector<16xi32>
    %swap3A_97 = arith.constant 32 : index
    %swap3A_98 = tpu.vector_load %arg9[%swap3A_97] {strides = array<i32>} : memref<96xi32, #tpu.memory_space<vmem>>, vector<16xi32>,
    tpu.vector_store %arg9[%swap3A_97], %add3A_96 {strides = array<i32>} : memref<96xi32, #tpu.memory_space<vmem>>, vector<16xi32>,
    %add3A_99 = arith.constant 40000 : i32
    %add3A_100 = arith.addi %add3A_99, %mul3A_0 : i32
    %add3A_101 = vector.broadcast %add3A_100 : i32 to vector<16xi32>
    %add3A_102 = arith.addi %get3A_88, %add3A_101 : vector<16xi32>
    %swap3A_103 = arith.constant 64 : index
    %swap3A_104 = tpu.vector_load %arg9[%swap3A_103] {strides = array<i32>} : memref<96xi32, #tpu.memory_space<vmem>>, vector<16xi32>,
    tpu.vector_store %arg9[%swap3A_103], %add3A_102 {strides = array<i32>} : memref<96xi32, #tpu.memory_space<vmem>>, vector<16xi32>,
    %get3A_105 = arith.constant 16 : index
    %get3A_106 = tpu.vector_load %arg7[%get3A_105] {strides = array<i32>} : memref<96xi32, #tpu.memory_space<vmem>>, vector<16xi32>,
    %get3A_107 = arith.constant 48 : index
    %get3A_108 = tpu.vector_load %arg7[%get3A_107] {strides = array<i32>} : memref<96xi32, #tpu.memory_space<vmem>>, vector<16xi32>,
    %add3A_109 = vector.broadcast %mul3A_0 : i32 to vector<16xi32>
    %add3A_110 = arith.addi %get3A_106, %add3A_109 : vector<16xi32>
    %swap3A_111 = arith.constant 16 : index
    %swap3A_112 = tpu.vector_load %arg9[%swap3A_111] {strides = array<i32>} : memref<96xi32, #tpu.memory_space<vmem>>, vector<16xi32>,
    tpu.vector_store %arg9[%swap3A_111], %add3A_110 {strides = array<i32>} : memref<96xi32, #tpu.memory_space<vmem>>, vector<16xi32>,
    %add3A_113 = arith.constant 20000 : i32
    %add3A_114 = arith.addi %add3A_113, %mul3A_0 : i32
    %add3A_115 = vector.broadcast %add3A_114 : i32 to vector<16xi32>
    %add3A_116 = arith.addi %get3A_108, %add3A_115 : vector<16xi32>
    %swap3A_117 = arith.constant 48 : index
    %swap3A_118 = tpu.vector_load %arg9[%swap3A_117] {strides = array<i32>} : memref<96xi32, #tpu.memory_space<vmem>>, vector<16xi32>,
    tpu.vector_store %arg9[%swap3A_117], %add3A_116 {strides = array<i32>} : memref<96xi32, #tpu.memory_space<vmem>>, vector<16xi32>,
    %add3A_119 = arith.constant 40000 : i32
    %add3A_120 = arith.addi %add3A_119, %mul3A_0 : i32
    %add3A_121 = vector.broadcast %add3A_120 : i32 to vector<16xi32>
    %add3A_122 = arith.addi %get3A_108, %add3A_121 : vector<16xi32>
    %swap3A_123 = arith.constant 80 : index
    %swap3A_124 = tpu.vector_load %arg9[%swap3A_123] {strides = array<i32>} : memref<96xi32, #tpu.memory_space<vmem>>, vector<16xi32>,
    tpu.vector_store %arg9[%swap3A_123], %add3A_122 {strides = array<i32>} : memref<96xi32, #tpu.memory_space<vmem>>, vector<16xi32>,
    %dma_start3A_125 = arith.constant 0 : i32
    %dma_start3A_126 = arith.constant 0 : i32
    %dma_start3A_127 = tpu.memref_slice %arg2[%dma_start3A_125, %dma_start3A_126] : memref<60000x128xf32, #tpu.memory_space<hbm>> -> memref<60000x128xf32, #tpu.memory_space<hbm>>
    tpu.enqueue_indirect_dma source(%dma_start3A_127 : memref<60000x128xf32, #tpu.memory_space<hbm>>) target(%arg11 : memref<96x128xf32, #tpu.memory_space<vmem>>) offsets(%arg9 : memref<96xi32, #tpu.memory_space<vmem>>) semaphore(%arg20 : memref<!tpu.dma_semaphore, #tpu.memory_space<semaphore_mem>>)
    %scan3A = arith.constant 0 : i32
    %scan3A_128 = arith.constant 0 : i32
    %scan3A_129 = arith.constant 160 : i32
    %scan3A_130 = arith.addi %scan3A_128, %scan3A_129 : i32
    %scan3A_131 = arith.constant 1 : i32
    %scan3A_132 = scf.for %scan3A_146 = %scan3A_128 to %scan3A_130 step %scan3A_131 iter_args(%scan3A_147 = %scan3A) -> (i32)  : i32 {
      %mul3A_148 = arith.constant 2 : i32
      %mul3A_149 = arith.muli %mul3A_148, %scan3A_146 : i32
      %add3A_150 = arith.constant 0 : i32
      %add3A_151 = arith.addi %mul3A_149, %add3A_150 : i32
      %dma_wait3A_152 = arith.constant 0 : i32
      %dma_wait3A_153 = arith.constant 0 : i32
      %dma_wait3A_154 = tpu.memref_slice %arg2[%dma_wait3A_152, %dma_wait3A_153] : memref<60000x128xf32, #tpu.memory_space<hbm>> -> memref<60000x128xf32, #tpu.memory_space<hbm>>
      tpu.wait_indirect_dma semaphore(%arg19 : memref<!tpu.dma_semaphore, #tpu.memory_space<semaphore_mem>>) src(%dma_wait3A_154 : memref<60000x128xf32, #tpu.memory_space<hbm>>) dst(%arg10 : memref<96x128xf32, #tpu.memory_space<vmem>>)
      %ge3A = arith.constant 2 : i32
      %ge3A_155 = arith.cmpi sge, %add3A_151, %ge3A : i32
      %convert_element_type3A = arith.extui %ge3A_155 : i1 to i32
      %cond3A = arith.constant 0 : i32
      %cond3A_156 = arith.cmpi ne, %convert_element_type3A, %cond3A : i32
      scf.if %cond3A_156 {
        %dma_wait3A_252 = arith.constant 0 : i32
        %dma_wait3A_253 = arith.constant 0 : i32
        %dma_wait3A_254 = tpu.memref_slice %arg18[%dma_wait3A_252, %dma_wait3A_253] : memref<10000x144xf32, #tpu.memory_space<vmem_shared>> -> memref<10000x144xf32, #tpu.memory_space<vmem_shared>>
        tpu.wait_indirect_dma semaphore(%arg23 : memref<!tpu.dma_semaphore, #tpu.memory_space<semaphore_mem>>) src(%arg12 : memref<32x144xf32, #tpu.memory_space<vmem>>) dst(%dma_wait3A_254 : memref<10000x144xf32, #tpu.memory_space<vmem_shared>>)
      } else {
      }
      %get3A_157 = arith.constant 0 : index
      %get3A_158 = tpu.vector_load %arg6[%get3A_157] {strides = array<i32>} : memref<96xi32, #tpu.memory_space<vmem>>, vector<16xi32>,
      %swap3A_159 = arith.constant 0 : index
      %swap3A_160 = tpu.vector_load %arg14[%swap3A_159] {strides = array<i32>} : memref<32xi32, #tpu.memory_space<vmem>>, vector<16xi32>,
      tpu.vector_store %arg14[%swap3A_159], %get3A_158 {strides = array<i32>} : memref<32xi32, #tpu.memory_space<vmem>>, vector<16xi32>,
      %get3A_161 = arith.constant 64 : index
      %get3A_162 = tpu.vector_load %arg6[%get3A_161] {strides = array<i32>} : memref<96xi32, #tpu.memory_space<vmem>>, vector<16xi32>,
      %bitcast3A = vector.bitcast %get3A_162 : vector<16xi32> to vector<16xf32>
      %swap3A_163 = arith.constant 0 : index
      %swap3A_164 = tpu.vector_load %arg16[%swap3A_163] {strides = array<i32>} : memref<32xf32, #tpu.memory_space<vmem>>, vector<16xf32>,
      tpu.vector_store %arg16[%swap3A_163], %bitcast3A {strides = array<i32>} : memref<32xf32, #tpu.memory_space<vmem>>, vector<16xf32>,
      %get3A_165 = arith.constant 16 : index
      %get3A_166 = tpu.vector_load %arg6[%get3A_165] {strides = array<i32>} : memref<96xi32, #tpu.memory_space<vmem>>, vector<16xi32>,
      %swap3A_167 = arith.constant 16 : index
      %swap3A_168 = tpu.vector_load %arg14[%swap3A_167] {strides = array<i32>} : memref<32xi32, #tpu.memory_space<vmem>>, vector<16xi32>,
      tpu.vector_store %arg14[%swap3A_167], %get3A_166 {strides = array<i32>} : memref<32xi32, #tpu.memory_space<vmem>>, vector<16xi32>,
      %get3A_169 = arith.constant 80 : index
      %get3A_170 = tpu.vector_load %arg6[%get3A_169] {strides = array<i32>} : memref<96xi32, #tpu.memory_space<vmem>>, vector<16xi32>,
      %bitcast3A_171 = vector.bitcast %get3A_170 : vector<16xi32> to vector<16xf32>
      %swap3A_172 = arith.constant 16 : index
      %swap3A_173 = tpu.vector_load %arg16[%swap3A_172] {strides = array<i32>} : memref<32xf32, #tpu.memory_space<vmem>>, vector<16xf32>,
      tpu.vector_store %arg16[%swap3A_172], %bitcast3A_171 {strides = array<i32>} : memref<32xf32, #tpu.memory_space<vmem>>, vector<16xf32>,
      %add3A_174 = arith.constant 2 : i32
      %add3A_175 = arith.addi %add3A_151, %add3A_174 : i32
      %lt3A = arith.constant 320 : i32
      %lt3A_176 = arith.cmpi slt, %add3A_175, %lt3A : i32
      %convert_element_type3A_177 = arith.extui %lt3A_176 : i1 to i32
      %cond3A_178 = arith.constant 0 : i32
      %cond3A_179 = arith.cmpi ne, %convert_element_type3A_177, %cond3A_178 : i32
      scf.if %cond3A_179 {
        %add3A_252 = arith.constant 2 : i32
        %add3A_253 = arith.addi %add3A_151, %add3A_252 : i32
        %mul3A_254 = arith.constant 320 : i32
        %mul3A_255 = arith.muli %arg1, %mul3A_254 : i32
        %add3A_256 = arith.addi %mul3A_255, %add3A_253 : i32
        %mul3A_257 = arith.constant 3 : i32
        %mul3A_258 = arith.muli %add3A_256, %mul3A_257 : i32
        %mul3A_259 = arith.constant 32 : i32
        %mul3A_260 = arith.muli %mul3A_258, %mul3A_259 : i32
        %dma_start3A_261 = tpu.memref_slice %arg3[%mul3A_260] : memref<491520xi32, #tpu.memory_space<hbm>> -> memref<96xi32, #tpu.memory_space<hbm>>
        %dma_start3A_262 = tpu.memref_slice %arg3[%mul3A_260] : memref<491520xi32, #tpu.memory_space<hbm>> -> memref<96xi32, #tpu.memory_space<hbm>>
        tpu.enqueue_dma source(%dma_start3A_262 : memref<96xi32, #tpu.memory_space<hbm>>) target(%arg6 : memref<96xi32, #tpu.memory_space<vmem>>) target_semaphore(%arg21 : memref<!tpu.dma_semaphore, #tpu.memory_space<semaphore_mem>>)
      } else {
      }
      %scan3A_180 = arith.constant 0 : i32
      %scan3A_181 = arith.constant 0 : i32
      %scan3A_182 = arith.constant 2 : i32
      %scan3A_183 = arith.addi %scan3A_181, %scan3A_182 : i32
      %scan3A_184 = arith.constant 1 : i32
      %scan3A_185 = scf.for %scan3A_252 = %scan3A_181 to %scan3A_183 step %scan3A_184 iter_args(%scan3A_253 = %scan3A_180) -> (i32)  : i32 {
        %mul3A_254 = arith.constant 16 : i32
        %mul3A_255 = arith.muli %scan3A_252, %mul3A_254 : i32
        %add3A_256 = vector.broadcast %mul3A_255 : i32 to vector<16xi32>
        %add3A_257 = arith.addi %iota3A, %add3A_256 : vector<16xi32>
        %add3A_258 = arith.constant 32 : i32
        %add3A_259 = vector.broadcast %add3A_258 : i32 to vector<16xi32>
        %add3A_260 = arith.addi %add3A_257, %add3A_259 : vector<16xi32>
        %add3A_261 = arith.constant 64 : i32
        %add3A_262 = vector.broadcast %add3A_261 : i32 to vector<16xi32>
        %add3A_263 = arith.addi %add3A_257, %add3A_262 : vector<16xi32>
        %mul3A_264 = arith.constant 16 : i32
        %mul3A_265 = arith.muli %scan3A_252, %mul3A_264 : i32
        %get3A_266 = arith.index_cast %mul3A_265 : i32 to index
        %get3A_267 = tpu.vector_load %arg16[%get3A_266] {strides = array<i32>} : memref<32xf32, #tpu.memory_space<vmem>>, vector<16xf32>,
        %broadcast_in_dim3A = arith.constant 0.000000e+00 : f32
        %broadcast_in_dim3A_268 = vector.broadcast %broadcast_in_dim3A : f32 to vector<16xf32>
        %scan3A_269 = arith.constant 0 : i32
        %scan3A_270 = arith.constant 16 : i32
        %scan3A_271 = arith.addi %scan3A_269, %scan3A_270 : i32
        %scan3A_272 = arith.constant 1 : i32
        %scan3A_273:4 = scf.for %scan3A_310 = %scan3A_269 to %scan3A_271 step %scan3A_272 iter_args(%scan3A_311 = %broadcast_in_dim3A_268, %scan3A_312 = %broadcast_in_dim3A_268, %scan3A_313 = %broadcast_in_dim3A_268, %scan3A_314 = %broadcast_in_dim3A_268) -> (vector<16xf32>, vector<16xf32>, vector<16xf32>, vector<16xf32>)  : i32 {
          %mul3A_315 = arith.constant 2 : i32
          %mul3A_316 = arith.muli %scan3A_310, %mul3A_315 : i32
          %add3A_317 = arith.constant 0 : i32
          %add3A_318 = arith.addi %mul3A_316, %add3A_317 : i32
          %add3A_319 = vector.broadcast %add3A_318 : i32 to vector<16xi32>
          %add3A_320 = arith.addi %iota3A, %add3A_319 : vector<16xi32>
          %and3A = arith.constant 31 : i32
          %and3A_321 = vector.broadcast %and3A : i32 to vector<16xi32>
          %and3A_322 = arith.andi %add3A_320, %and3A_321 : vector<16xi32>
          %add3A_323 = arith.constant 0 : i32
          %add3A_324 = vector.broadcast %add3A_323 : i32 to vector<16xi32>
          %add3A_325 = arith.addi %and3A_322, %add3A_324 : vector<16xi32>
          %gather3A = tpu.vector_load_idx %arg10[%add3A_257, %add3A_325] : memref<96x128xf32, #tpu.memory_space<vmem>>[vector<16xi32>, vector<16xi32>], vector<16xf32>,
          %gather3A_326 = tpu.vector_load_idx %arg10[%add3A_260, %add3A_325] : memref<96x128xf32, #tpu.memory_space<vmem>>[vector<16xi32>, vector<16xi32>], vector<16xf32>,
          %mul3A_327 = arith.mulf %gather3A, %gather3A_326 : vector<16xf32>
          %add3A_328 = arith.addf %scan3A_311, %mul3A_327 : vector<16xf32>
          %add3A_329 = arith.constant 32 : i32
          %add3A_330 = vector.broadcast %add3A_329 : i32 to vector<16xi32>
          %add3A_331 = arith.addi %and3A_322, %add3A_330 : vector<16xi32>
          %gather3A_332 = tpu.vector_load_idx %arg10[%add3A_257, %add3A_331] : memref<96x128xf32, #tpu.memory_space<vmem>>[vector<16xi32>, vector<16xi32>], vector<16xf32>,
          %gather3A_333 = tpu.vector_load_idx %arg10[%add3A_260, %add3A_331] : memref<96x128xf32, #tpu.memory_space<vmem>>[vector<16xi32>, vector<16xi32>], vector<16xf32>,
          %mul3A_334 = arith.mulf %gather3A_332, %gather3A_333 : vector<16xf32>
          %add3A_335 = arith.addf %scan3A_312, %mul3A_334 : vector<16xf32>
          %add3A_336 = arith.constant 64 : i32
          %add3A_337 = vector.broadcast %add3A_336 : i32 to vector<16xi32>
          %add3A_338 = arith.addi %and3A_322, %add3A_337 : vector<16xi32>
          %gather3A_339 = tpu.vector_load_idx %arg10[%add3A_257, %add3A_338] : memref<96x128xf32, #tpu.memory_space<vmem>>[vector<16xi32>, vector<16xi32>], vector<16xf32>,
          %gather3A_340 = tpu.vector_load_idx %arg10[%add3A_260, %add3A_338] : memref<96x128xf32, #tpu.memory_space<vmem>>[vector<16xi32>, vector<16xi32>], vector<16xf32>,
          %mul3A_341 = arith.mulf %gather3A_339, %gather3A_340 : vector<16xf32>
          %add3A_342 = arith.addf %scan3A_313, %mul3A_341 : vector<16xf32>
          %add3A_343 = arith.constant 96 : i32
          %add3A_344 = vector.broadcast %add3A_343 : i32 to vector<16xi32>
          %add3A_345 = arith.addi %and3A_322, %add3A_344 : vector<16xi32>
          %gather3A_346 = tpu.vector_load_idx %arg10[%add3A_257, %add3A_345] : memref<96x128xf32, #tpu.memory_space<vmem>>[vector<16xi32>, vector<16xi32>], vector<16xf32>,
          %gather3A_347 = tpu.vector_load_idx %arg10[%add3A_260, %add3A_345] : memref<96x128xf32, #tpu.memory_space<vmem>>[vector<16xi32>, vector<16xi32>], vector<16xf32>,
          %mul3A_348 = arith.mulf %gather3A_346, %gather3A_347 : vector<16xf32>
          %add3A_349 = arith.addf %scan3A_314, %mul3A_348 : vector<16xf32>
          %mul3A_350 = arith.constant 2 : i32
          %mul3A_351 = arith.muli %scan3A_310, %mul3A_350 : i32
          %add3A_352 = arith.constant 1 : i32
          %add3A_353 = arith.addi %mul3A_351, %add3A_352 : i32
          %add3A_354 = vector.broadcast %add3A_353 : i32 to vector<16xi32>
          %add3A_355 = arith.addi %iota3A, %add3A_354 : vector<16xi32>
          %and3A_356 = arith.constant 31 : i32
          %and3A_357 = vector.broadcast %and3A_356 : i32 to vector<16xi32>
          %and3A_358 = arith.andi %add3A_355, %and3A_357 : vector<16xi32>
          %add3A_359 = arith.constant 0 : i32
          %add3A_360 = vector.broadcast %add3A_359 : i32 to vector<16xi32>
          %add3A_361 = arith.addi %and3A_358, %add3A_360 : vector<16xi32>
          %gather3A_362 = tpu.vector_load_idx %arg10[%add3A_257, %add3A_361] : memref<96x128xf32, #tpu.memory_space<vmem>>[vector<16xi32>, vector<16xi32>], vector<16xf32>,
          %gather3A_363 = tpu.vector_load_idx %arg10[%add3A_260, %add3A_361] : memref<96x128xf32, #tpu.memory_space<vmem>>[vector<16xi32>, vector<16xi32>], vector<16xf32>,
          %mul3A_364 = arith.mulf %gather3A_362, %gather3A_363 : vector<16xf32>
          %add3A_365 = arith.addf %add3A_328, %mul3A_364 : vector<16xf32>
          %add3A_366 = arith.constant 32 : i32
          %add3A_367 = vector.broadcast %add3A_366 : i32 to vector<16xi32>
          %add3A_368 = arith.addi %and3A_358, %add3A_367 : vector<16xi32>
          %gather3A_369 = tpu.vector_load_idx %arg10[%add3A_257, %add3A_368] : memref<96x128xf32, #tpu.memory_space<vmem>>[vector<16xi32>, vector<16xi32>], vector<16xf32>,
          %gather3A_370 = tpu.vector_load_idx %arg10[%add3A_260, %add3A_368] : memref<96x128xf32, #tpu.memory_space<vmem>>[vector<16xi32>, vector<16xi32>], vector<16xf32>,
          %mul3A_371 = arith.mulf %gather3A_369, %gather3A_370 : vector<16xf32>
          %add3A_372 = arith.addf %add3A_335, %mul3A_371 : vector<16xf32>
          %add3A_373 = arith.constant 64 : i32
          %add3A_374 = vector.broadcast %add3A_373 : i32 to vector<16xi32>
          %add3A_375 = arith.addi %and3A_358, %add3A_374 : vector<16xi32>
          %gather3A_376 = tpu.vector_load_idx %arg10[%add3A_257, %add3A_375] : memref<96x128xf32, #tpu.memory_space<vmem>>[vector<16xi32>, vector<16xi32>], vector<16xf32>,
          %gather3A_377 = tpu.vector_load_idx %arg10[%add3A_260, %add3A_375] : memref<96x128xf32, #tpu.memory_space<vmem>>[vector<16xi32>, vector<16xi32>], vector<16xf32>,
          %mul3A_378 = arith.mulf %gather3A_376, %gather3A_377 : vector<16xf32>
          %add3A_379 = arith.addf %add3A_342, %mul3A_378 : vector<16xf32>
          %add3A_380 = arith.constant 96 : i32
          %add3A_381 = vector.broadcast %add3A_380 : i32 to vector<16xi32>
          %add3A_382 = arith.addi %and3A_358, %add3A_381 : vector<16xi32>
          %gather3A_383 = tpu.vector_load_idx %arg10[%add3A_257, %add3A_382] : memref<96x128xf32, #tpu.memory_space<vmem>>[vector<16xi32>, vector<16xi32>], vector<16xf32>,
          %gather3A_384 = tpu.vector_load_idx %arg10[%add3A_260, %add3A_382] : memref<96x128xf32, #tpu.memory_space<vmem>>[vector<16xi32>, vector<16xi32>], vector<16xf32>,
          %mul3A_385 = arith.mulf %gather3A_383, %gather3A_384 : vector<16xf32>
          %add3A_386 = arith.addf %add3A_349, %mul3A_385 : vector<16xf32>
          scf.yield %add3A_365, %add3A_372, %add3A_379, %add3A_386 : vector<16xf32>, vector<16xf32>, vector<16xf32>, vector<16xf32>
        }
        %scan3A_274 = arith.constant 16 : i32
        %mul3A_275 = arith.constant 0.176776692 : f32
        %mul3A_276 = vector.broadcast %mul3A_275 : f32 to vector<16xf32>
        %mul3A_277 = arith.mulf %scan3A_273#0, %mul3A_276 : vector<16xf32>
        %exp3A = math.exp %mul3A_277 : vector<16xf32>
        %mul3A_278 = arith.mulf %exp3A, %get3A_267 : vector<16xf32>
        %broadcast_in_dim3A_279 = arith.constant 128 : i32
        %broadcast_in_dim3A_280 = vector.broadcast %broadcast_in_dim3A_279 : i32 to vector<16xi32>
        tpu.vector_store_idx %arg12[%add3A_257, %broadcast_in_dim3A_280], %mul3A_278 : memref<32x144xf32, #tpu.memory_space<vmem>>[vector<16xi32>, vector<16xi32>], vector<16xf32>,
        %mul3A_281 = arith.constant 0.176776692 : f32
        %mul3A_282 = vector.broadcast %mul3A_281 : f32 to vector<16xf32>
        %mul3A_283 = arith.mulf %scan3A_273#1, %mul3A_282 : vector<16xf32>
        %exp3A_284 = math.exp %mul3A_283 : vector<16xf32>
        %mul3A_285 = arith.mulf %exp3A_284, %get3A_267 : vector<16xf32>
        %broadcast_in_dim3A_286 = arith.constant 129 : i32
        %broadcast_in_dim3A_287 = vector.broadcast %broadcast_in_dim3A_286 : i32 to vector<16xi32>
        tpu.vector_store_idx %arg12[%add3A_257, %broadcast_in_dim3A_287], %mul3A_285 : memref<32x144xf32, #tpu.memory_space<vmem>>[vector<16xi32>, vector<16xi32>], vector<16xf32>,
        %mul3A_288 = arith.constant 0.176776692 : f32
        %mul3A_289 = vector.broadcast %mul3A_288 : f32 to vector<16xf32>
        %mul3A_290 = arith.mulf %scan3A_273#2, %mul3A_289 : vector<16xf32>
        %exp3A_291 = math.exp %mul3A_290 : vector<16xf32>
        %mul3A_292 = arith.mulf %exp3A_291, %get3A_267 : vector<16xf32>
        %broadcast_in_dim3A_293 = arith.constant 130 : i32
        %broadcast_in_dim3A_294 = vector.broadcast %broadcast_in_dim3A_293 : i32 to vector<16xi32>
        tpu.vector_store_idx %arg12[%add3A_257, %broadcast_in_dim3A_294], %mul3A_292 : memref<32x144xf32, #tpu.memory_space<vmem>>[vector<16xi32>, vector<16xi32>], vector<16xf32>,
        %mul3A_295 = arith.constant 0.176776692 : f32
        %mul3A_296 = vector.broadcast %mul3A_295 : f32 to vector<16xf32>
        %mul3A_297 = arith.mulf %scan3A_273#3, %mul3A_296 : vector<16xf32>
        %exp3A_298 = math.exp %mul3A_297 : vector<16xf32>
        %mul3A_299 = arith.mulf %exp3A_298, %get3A_267 : vector<16xf32>
        %broadcast_in_dim3A_300 = arith.constant 131 : i32
        %broadcast_in_dim3A_301 = vector.broadcast %broadcast_in_dim3A_300 : i32 to vector<16xi32>
        tpu.vector_store_idx %arg12[%add3A_257, %broadcast_in_dim3A_301], %mul3A_299 : memref<32x144xf32, #tpu.memory_space<vmem>>[vector<16xi32>, vector<16xi32>], vector<16xf32>,
        %scan3A_302 = arith.constant 0 : i32
        %scan3A_303 = arith.constant 0 : i32
        %scan3A_304 = arith.constant 16 : i32
        %scan3A_305 = arith.addi %scan3A_303, %scan3A_304 : i32
        %scan3A_306 = arith.constant 1 : i32
        %scan3A_307 = scf.for %scan3A_310 = %scan3A_303 to %scan3A_305 step %scan3A_306 iter_args(%scan3A_311 = %scan3A_302) -> (i32)  : i32 {
          %mul3A_312 = arith.constant 2 : i32
          %mul3A_313 = arith.muli %scan3A_310, %mul3A_312 : i32
          %add3A_314 = arith.constant 0 : i32
          %add3A_315 = arith.addi %mul3A_313, %add3A_314 : i32
          %add3A_316 = vector.broadcast %add3A_315 : i32 to vector<16xi32>
          %add3A_317 = arith.addi %iota3A, %add3A_316 : vector<16xi32>
          %and3A = arith.constant 31 : i32
          %and3A_318 = vector.broadcast %and3A : i32 to vector<16xi32>
          %and3A_319 = arith.andi %add3A_317, %and3A_318 : vector<16xi32>
          %add3A_320 = arith.constant 0 : i32
          %add3A_321 = vector.broadcast %add3A_320 : i32 to vector<16xi32>
          %add3A_322 = arith.addi %and3A_319, %add3A_321 : vector<16xi32>
          %gather3A = tpu.vector_load_idx %arg10[%add3A_263, %add3A_322] : memref<96x128xf32, #tpu.memory_space<vmem>>[vector<16xi32>, vector<16xi32>], vector<16xf32>,
          %mul3A_323 = arith.mulf %gather3A, %mul3A_278 : vector<16xf32>
          tpu.vector_store_idx %arg12[%add3A_257, %add3A_322], %mul3A_323 : memref<32x144xf32, #tpu.memory_space<vmem>>[vector<16xi32>, vector<16xi32>], vector<16xf32>,
          %add3A_324 = arith.constant 32 : i32
          %add3A_325 = vector.broadcast %add3A_324 : i32 to vector<16xi32>
          %add3A_326 = arith.addi %and3A_319, %add3A_325 : vector<16xi32>
          %gather3A_327 = tpu.vector_load_idx %arg10[%add3A_263, %add3A_326] : memref<96x128xf32, #tpu.memory_space<vmem>>[vector<16xi32>, vector<16xi32>], vector<16xf32>,
          %mul3A_328 = arith.mulf %gather3A_327, %mul3A_285 : vector<16xf32>
          tpu.vector_store_idx %arg12[%add3A_257, %add3A_326], %mul3A_328 : memref<32x144xf32, #tpu.memory_space<vmem>>[vector<16xi32>, vector<16xi32>], vector<16xf32>,
          %add3A_329 = arith.constant 64 : i32
          %add3A_330 = vector.broadcast %add3A_329 : i32 to vector<16xi32>
          %add3A_331 = arith.addi %and3A_319, %add3A_330 : vector<16xi32>
          %gather3A_332 = tpu.vector_load_idx %arg10[%add3A_263, %add3A_331] : memref<96x128xf32, #tpu.memory_space<vmem>>[vector<16xi32>, vector<16xi32>], vector<16xf32>,
          %mul3A_333 = arith.mulf %gather3A_332, %mul3A_292 : vector<16xf32>
          tpu.vector_store_idx %arg12[%add3A_257, %add3A_331], %mul3A_333 : memref<32x144xf32, #tpu.memory_space<vmem>>[vector<16xi32>, vector<16xi32>], vector<16xf32>,
          %add3A_334 = arith.constant 96 : i32
          %add3A_335 = vector.broadcast %add3A_334 : i32 to vector<16xi32>
          %add3A_336 = arith.addi %and3A_319, %add3A_335 : vector<16xi32>
          %gather3A_337 = tpu.vector_load_idx %arg10[%add3A_263, %add3A_336] : memref<96x128xf32, #tpu.memory_space<vmem>>[vector<16xi32>, vector<16xi32>], vector<16xf32>,
          %mul3A_338 = arith.mulf %gather3A_337, %mul3A_299 : vector<16xf32>
          tpu.vector_store_idx %arg12[%add3A_257, %add3A_336], %mul3A_338 : memref<32x144xf32, #tpu.memory_space<vmem>>[vector<16xi32>, vector<16xi32>], vector<16xf32>,
          %mul3A_339 = arith.constant 2 : i32
          %mul3A_340 = arith.muli %scan3A_310, %mul3A_339 : i32
          %add3A_341 = arith.constant 1 : i32
          %add3A_342 = arith.addi %mul3A_340, %add3A_341 : i32
          %add3A_343 = vector.broadcast %add3A_342 : i32 to vector<16xi32>
          %add3A_344 = arith.addi %iota3A, %add3A_343 : vector<16xi32>
          %and3A_345 = arith.constant 31 : i32
          %and3A_346 = vector.broadcast %and3A_345 : i32 to vector<16xi32>
          %and3A_347 = arith.andi %add3A_344, %and3A_346 : vector<16xi32>
          %add3A_348 = arith.constant 0 : i32
          %add3A_349 = vector.broadcast %add3A_348 : i32 to vector<16xi32>
          %add3A_350 = arith.addi %and3A_347, %add3A_349 : vector<16xi32>
          %gather3A_351 = tpu.vector_load_idx %arg10[%add3A_263, %add3A_350] : memref<96x128xf32, #tpu.memory_space<vmem>>[vector<16xi32>, vector<16xi32>], vector<16xf32>,
          %mul3A_352 = arith.mulf %gather3A_351, %mul3A_278 : vector<16xf32>
          tpu.vector_store_idx %arg12[%add3A_257, %add3A_350], %mul3A_352 : memref<32x144xf32, #tpu.memory_space<vmem>>[vector<16xi32>, vector<16xi32>], vector<16xf32>,
          %add3A_353 = arith.constant 32 : i32
          %add3A_354 = vector.broadcast %add3A_353 : i32 to vector<16xi32>
          %add3A_355 = arith.addi %and3A_347, %add3A_354 : vector<16xi32>
          %gather3A_356 = tpu.vector_load_idx %arg10[%add3A_263, %add3A_355] : memref<96x128xf32, #tpu.memory_space<vmem>>[vector<16xi32>, vector<16xi32>], vector<16xf32>,
          %mul3A_357 = arith.mulf %gather3A_356, %mul3A_285 : vector<16xf32>
          tpu.vector_store_idx %arg12[%add3A_257, %add3A_355], %mul3A_357 : memref<32x144xf32, #tpu.memory_space<vmem>>[vector<16xi32>, vector<16xi32>], vector<16xf32>,
          %add3A_358 = arith.constant 64 : i32
          %add3A_359 = vector.broadcast %add3A_358 : i32 to vector<16xi32>
          %add3A_360 = arith.addi %and3A_347, %add3A_359 : vector<16xi32>
          %gather3A_361 = tpu.vector_load_idx %arg10[%add3A_263, %add3A_360] : memref<96x128xf32, #tpu.memory_space<vmem>>[vector<16xi32>, vector<16xi32>], vector<16xf32>,
          %mul3A_362 = arith.mulf %gather3A_361, %mul3A_292 : vector<16xf32>
          tpu.vector_store_idx %arg12[%add3A_257, %add3A_360], %mul3A_362 : memref<32x144xf32, #tpu.memory_space<vmem>>[vector<16xi32>, vector<16xi32>], vector<16xf32>,
          %add3A_363 = arith.constant 96 : i32
          %add3A_364 = vector.broadcast %add3A_363 : i32 to vector<16xi32>
          %add3A_365 = arith.addi %and3A_347, %add3A_364 : vector<16xi32>
          %gather3A_366 = tpu.vector_load_idx %arg10[%add3A_263, %add3A_365] : memref<96x128xf32, #tpu.memory_space<vmem>>[vector<16xi32>, vector<16xi32>], vector<16xf32>,
          %mul3A_367 = arith.mulf %gather3A_366, %mul3A_299 : vector<16xf32>
          tpu.vector_store_idx %arg12[%add3A_257, %add3A_365], %mul3A_367 : memref<32x144xf32, #tpu.memory_space<vmem>>[vector<16xi32>, vector<16xi32>], vector<16xf32>,
          %scan3A_368 = arith.constant 0 : i32
          scf.yield %scan3A_368 : i32
        }
        %scan3A_308 = arith.constant 16 : i32
        %scan3A_309 = arith.constant 0 : i32
        scf.yield %scan3A_309 : i32
      }
      %scan3A_186 = arith.constant 2 : i32
      %dma_start3A_187 = arith.constant 0 : i32
      %dma_start3A_188 = arith.constant 0 : i32
      %dma_start3A_189 = tpu.memref_slice %arg18[%dma_start3A_187, %dma_start3A_188] : memref<10000x144xf32, #tpu.memory_space<vmem_shared>> -> memref<10000x144xf32, #tpu.memory_space<vmem_shared>>
      tpu.enqueue_indirect_dma source(%arg12 : memref<32x144xf32, #tpu.memory_space<vmem>>) target(%dma_start3A_189 : memref<10000x144xf32, #tpu.memory_space<vmem_shared>>) offsets(%arg14 : memref<32xi32, #tpu.memory_space<vmem>>) semaphore(%arg23 : memref<!tpu.dma_semaphore, #tpu.memory_space<semaphore_mem>>) {add = true}
      %add3A_190 = arith.constant 2 : i32
      %add3A_191 = arith.addi %add3A_151, %add3A_190 : i32
      %lt3A_192 = arith.constant 320 : i32
      %lt3A_193 = arith.cmpi slt, %add3A_191, %lt3A_192 : i32
      %convert_element_type3A_194 = arith.extui %lt3A_193 : i1 to i32
      %cond3A_195 = arith.constant 0 : i32
      %cond3A_196 = arith.cmpi ne, %convert_element_type3A_194, %cond3A_195 : i32
      scf.if %cond3A_196 {
        %add3A_252 = arith.constant 2 : i32
        %add3A_253 = arith.addi %add3A_151, %add3A_252 : i32
        %mul3A_254 = arith.constant 320 : i32
        %mul3A_255 = arith.muli %arg1, %mul3A_254 : i32
        %add3A_256 = arith.addi %mul3A_255, %add3A_253 : i32
        %mul3A_257 = arith.constant 3 : i32
        %mul3A_258 = arith.muli %add3A_256, %mul3A_257 : i32
        %mul3A_259 = arith.constant 32 : i32
        %mul3A_260 = arith.muli %mul3A_258, %mul3A_259 : i32
        %dma_wait3A_261 = tpu.memref_slice %arg3[%mul3A_260] : memref<491520xi32, #tpu.memory_space<hbm>> -> memref<96xi32, #tpu.memory_space<hbm>>
        %dma_wait3A_262 = tpu.memref_slice %arg3[%mul3A_260] : memref<491520xi32, #tpu.memory_space<hbm>> -> memref<96xi32, #tpu.memory_space<hbm>>
        tpu.wait_dma2 semaphore(%arg21 : memref<!tpu.dma_semaphore, #tpu.memory_space<semaphore_mem>>) src(%dma_wait3A_262 : memref<96xi32, #tpu.memory_space<hbm>>) dst(%arg6 : memref<96xi32, #tpu.memory_space<vmem>>)
        %get3A_263 = arith.constant 0 : index
        %get3A_264 = tpu.vector_load %arg6[%get3A_263] {strides = array<i32>} : memref<96xi32, #tpu.memory_space<vmem>>, vector<16xi32>,
        %get3A_265 = arith.constant 32 : index
        %get3A_266 = tpu.vector_load %arg6[%get3A_265] {strides = array<i32>} : memref<96xi32, #tpu.memory_space<vmem>>, vector<16xi32>,
        %add3A_267 = vector.broadcast %mul3A_0 : i32 to vector<16xi32>
        %add3A_268 = arith.addi %get3A_264, %add3A_267 : vector<16xi32>
        %swap3A_269 = arith.constant 0 : index
        %swap3A_270 = tpu.vector_load %arg8[%swap3A_269] {strides = array<i32>} : memref<96xi32, #tpu.memory_space<vmem>>, vector<16xi32>,
        tpu.vector_store %arg8[%swap3A_269], %add3A_268 {strides = array<i32>} : memref<96xi32, #tpu.memory_space<vmem>>, vector<16xi32>,
        %add3A_271 = arith.constant 20000 : i32
        %add3A_272 = arith.addi %add3A_271, %mul3A_0 : i32
        %add3A_273 = vector.broadcast %add3A_272 : i32 to vector<16xi32>
        %add3A_274 = arith.addi %get3A_266, %add3A_273 : vector<16xi32>
        %swap3A_275 = arith.constant 32 : index
        %swap3A_276 = tpu.vector_load %arg8[%swap3A_275] {strides = array<i32>} : memref<96xi32, #tpu.memory_space<vmem>>, vector<16xi32>,
        tpu.vector_store %arg8[%swap3A_275], %add3A_274 {strides = array<i32>} : memref<96xi32, #tpu.memory_space<vmem>>, vector<16xi32>,
        %add3A_277 = arith.constant 40000 : i32
        %add3A_278 = arith.addi %add3A_277, %mul3A_0 : i32
        %add3A_279 = vector.broadcast %add3A_278 : i32 to vector<16xi32>
        %add3A_280 = arith.addi %get3A_266, %add3A_279 : vector<16xi32>
        %swap3A_281 = arith.constant 64 : index
        %swap3A_282 = tpu.vector_load %arg8[%swap3A_281] {strides = array<i32>} : memref<96xi32, #tpu.memory_space<vmem>>, vector<16xi32>,
        tpu.vector_store %arg8[%swap3A_281], %add3A_280 {strides = array<i32>} : memref<96xi32, #tpu.memory_space<vmem>>, vector<16xi32>,
        %get3A_283 = arith.constant 16 : index
        %get3A_284 = tpu.vector_load %arg6[%get3A_283] {strides = array<i32>} : memref<96xi32, #tpu.memory_space<vmem>>, vector<16xi32>,
        %get3A_285 = arith.constant 48 : index
        %get3A_286 = tpu.vector_load %arg6[%get3A_285] {strides = array<i32>} : memref<96xi32, #tpu.memory_space<vmem>>, vector<16xi32>,
        %add3A_287 = vector.broadcast %mul3A_0 : i32 to vector<16xi32>
        %add3A_288 = arith.addi %get3A_284, %add3A_287 : vector<16xi32>
        %swap3A_289 = arith.constant 16 : index
        %swap3A_290 = tpu.vector_load %arg8[%swap3A_289] {strides = array<i32>} : memref<96xi32, #tpu.memory_space<vmem>>, vector<16xi32>,
        tpu.vector_store %arg8[%swap3A_289], %add3A_288 {strides = array<i32>} : memref<96xi32, #tpu.memory_space<vmem>>, vector<16xi32>,
        %add3A_291 = arith.constant 20000 : i32
        %add3A_292 = arith.addi %add3A_291, %mul3A_0 : i32
        %add3A_293 = vector.broadcast %add3A_292 : i32 to vector<16xi32>
        %add3A_294 = arith.addi %get3A_286, %add3A_293 : vector<16xi32>
        %swap3A_295 = arith.constant 48 : index
        %swap3A_296 = tpu.vector_load %arg8[%swap3A_295] {strides = array<i32>} : memref<96xi32, #tpu.memory_space<vmem>>, vector<16xi32>,
        tpu.vector_store %arg8[%swap3A_295], %add3A_294 {strides = array<i32>} : memref<96xi32, #tpu.memory_space<vmem>>, vector<16xi32>,
        %add3A_297 = arith.constant 40000 : i32
        %add3A_298 = arith.addi %add3A_297, %mul3A_0 : i32
        %add3A_299 = vector.broadcast %add3A_298 : i32 to vector<16xi32>
        %add3A_300 = arith.addi %get3A_286, %add3A_299 : vector<16xi32>
        %swap3A_301 = arith.constant 80 : index
        %swap3A_302 = tpu.vector_load %arg8[%swap3A_301] {strides = array<i32>} : memref<96xi32, #tpu.memory_space<vmem>>, vector<16xi32>,
        tpu.vector_store %arg8[%swap3A_301], %add3A_300 {strides = array<i32>} : memref<96xi32, #tpu.memory_space<vmem>>, vector<16xi32>,
        %dma_start3A_303 = arith.constant 0 : i32
        %dma_start3A_304 = arith.constant 0 : i32
        %dma_start3A_305 = tpu.memref_slice %arg2[%dma_start3A_303, %dma_start3A_304] : memref<60000x128xf32, #tpu.memory_space<hbm>> -> memref<60000x128xf32, #tpu.memory_space<hbm>>
        tpu.enqueue_indirect_dma source(%dma_start3A_305 : memref<60000x128xf32, #tpu.memory_space<hbm>>) target(%arg10 : memref<96x128xf32, #tpu.memory_space<vmem>>) offsets(%arg8 : memref<96xi32, #tpu.memory_space<vmem>>) semaphore(%arg19 : memref<!tpu.dma_semaphore, #tpu.memory_space<semaphore_mem>>)
      } else {
      }
      %mul3A_197 = arith.constant 2 : i32
      %mul3A_198 = arith.muli %mul3A_197, %scan3A_146 : i32
      %add3A_199 = arith.constant 1 : i32
      %add3A_200 = arith.addi %mul3A_198, %add3A_199 : i32
      %dma_wait3A_201 = arith.constant 0 : i32
      %dma_wait3A_202 = arith.constant 0 : i32
      %dma_wait3A_203 = tpu.memref_slice %arg2[%dma_wait3A_201, %dma_wait3A_202] : memref<60000x128xf32, #tpu.memory_space<hbm>> -> memref<60000x128xf32, #tpu.memory_space<hbm>>
      tpu.wait_indirect_dma semaphore(%arg20 : memref<!tpu.dma_semaphore, #tpu.memory_space<semaphore_mem>>) src(%dma_wait3A_203 : memref<60000x128xf32, #tpu.memory_space<hbm>>) dst(%arg11 : memref<96x128xf32, #tpu.memory_space<vmem>>)
      %ge3A_204 = arith.constant 2 : i32
      %ge3A_205 = arith.cmpi sge, %add3A_200, %ge3A_204 : i32
      %convert_element_type3A_206 = arith.extui %ge3A_205 : i1 to i32
      %cond3A_207 = arith.constant 0 : i32
      %cond3A_208 = arith.cmpi ne, %convert_element_type3A_206, %cond3A_207 : i32
      scf.if %cond3A_208 {
        %dma_wait3A_252 = arith.constant 0 : i32
        %dma_wait3A_253 = arith.constant 0 : i32
        %dma_wait3A_254 = tpu.memref_slice %arg18[%dma_wait3A_252, %dma_wait3A_253] : memref<10000x144xf32, #tpu.memory_space<vmem_shared>> -> memref<10000x144xf32, #tpu.memory_space<vmem_shared>>
        tpu.wait_indirect_dma semaphore(%arg24 : memref<!tpu.dma_semaphore, #tpu.memory_space<semaphore_mem>>) src(%arg13 : memref<32x144xf32, #tpu.memory_space<vmem>>) dst(%dma_wait3A_254 : memref<10000x144xf32, #tpu.memory_space<vmem_shared>>)
      } else {
      }
      %get3A_209 = arith.constant 0 : index
      %get3A_210 = tpu.vector_load %arg7[%get3A_209] {strides = array<i32>} : memref<96xi32, #tpu.memory_space<vmem>>, vector<16xi32>,
      %swap3A_211 = arith.constant 0 : index
      %swap3A_212 = tpu.vector_load %arg15[%swap3A_211] {strides = array<i32>} : memref<32xi32, #tpu.memory_space<vmem>>, vector<16xi32>,
      tpu.vector_store %arg15[%swap3A_211], %get3A_210 {strides = array<i32>} : memref<32xi32, #tpu.memory_space<vmem>>, vector<16xi32>,
      %get3A_213 = arith.constant 64 : index
      %get3A_214 = tpu.vector_load %arg7[%get3A_213] {strides = array<i32>} : memref<96xi32, #tpu.memory_space<vmem>>, vector<16xi32>,
      %bitcast3A_215 = vector.bitcast %get3A_214 : vector<16xi32> to vector<16xf32>
      %swap3A_216 = arith.constant 0 : index
      %swap3A_217 = tpu.vector_load %arg17[%swap3A_216] {strides = array<i32>} : memref<32xf32, #tpu.memory_space<vmem>>, vector<16xf32>,
      tpu.vector_store %arg17[%swap3A_216], %bitcast3A_215 {strides = array<i32>} : memref<32xf32, #tpu.memory_space<vmem>>, vector<16xf32>,
      %get3A_218 = arith.constant 16 : index
      %get3A_219 = tpu.vector_load %arg7[%get3A_218] {strides = array<i32>} : memref<96xi32, #tpu.memory_space<vmem>>, vector<16xi32>,
      %swap3A_220 = arith.constant 16 : index
      %swap3A_221 = tpu.vector_load %arg15[%swap3A_220] {strides = array<i32>} : memref<32xi32, #tpu.memory_space<vmem>>, vector<16xi32>,
      tpu.vector_store %arg15[%swap3A_220], %get3A_219 {strides = array<i32>} : memref<32xi32, #tpu.memory_space<vmem>>, vector<16xi32>,
      %get3A_222 = arith.constant 80 : index
      %get3A_223 = tpu.vector_load %arg7[%get3A_222] {strides = array<i32>} : memref<96xi32, #tpu.memory_space<vmem>>, vector<16xi32>,
      %bitcast3A_224 = vector.bitcast %get3A_223 : vector<16xi32> to vector<16xf32>
      %swap3A_225 = arith.constant 16 : index
      %swap3A_226 = tpu.vector_load %arg17[%swap3A_225] {strides = array<i32>} : memref<32xf32, #tpu.memory_space<vmem>>, vector<16xf32>,
      tpu.vector_store %arg17[%swap3A_225], %bitcast3A_224 {strides = array<i32>} : memref<32xf32, #tpu.memory_space<vmem>>, vector<16xf32>,
      %add3A_227 = arith.constant 2 : i32
      %add3A_228 = arith.addi %add3A_200, %add3A_227 : i32
      %lt3A_229 = arith.constant 320 : i32
      %lt3A_230 = arith.cmpi slt, %add3A_228, %lt3A_229 : i32
      %convert_element_type3A_231 = arith.extui %lt3A_230 : i1 to i32
      %cond3A_232 = arith.constant 0 : i32
      %cond3A_233 = arith.cmpi ne, %convert_element_type3A_231, %cond3A_232 : i32
      scf.if %cond3A_233 {
        %add3A_252 = arith.constant 2 : i32
        %add3A_253 = arith.addi %add3A_200, %add3A_252 : i32
        %mul3A_254 = arith.constant 320 : i32
        %mul3A_255 = arith.muli %arg1, %mul3A_254 : i32
        %add3A_256 = arith.addi %mul3A_255, %add3A_253 : i32
        %mul3A_257 = arith.constant 3 : i32
        %mul3A_258 = arith.muli %add3A_256, %mul3A_257 : i32
        %mul3A_259 = arith.constant 32 : i32
        %mul3A_260 = arith.muli %mul3A_258, %mul3A_259 : i32
        %dma_start3A_261 = tpu.memref_slice %arg3[%mul3A_260] : memref<491520xi32, #tpu.memory_space<hbm>> -> memref<96xi32, #tpu.memory_space<hbm>>
        %dma_start3A_262 = tpu.memref_slice %arg3[%mul3A_260] : memref<491520xi32, #tpu.memory_space<hbm>> -> memref<96xi32, #tpu.memory_space<hbm>>
        tpu.enqueue_dma source(%dma_start3A_262 : memref<96xi32, #tpu.memory_space<hbm>>) target(%arg7 : memref<96xi32, #tpu.memory_space<vmem>>) target_semaphore(%arg22 : memref<!tpu.dma_semaphore, #tpu.memory_space<semaphore_mem>>)
      } else {
      }
      %scan3A_234 = arith.constant 0 : i32
      %scan3A_235 = arith.constant 0 : i32
      %scan3A_236 = arith.constant 2 : i32
      %scan3A_237 = arith.addi %scan3A_235, %scan3A_236 : i32
      %scan3A_238 = arith.constant 1 : i32
      %scan3A_239 = scf.for %scan3A_252 = %scan3A_235 to %scan3A_237 step %scan3A_238 iter_args(%scan3A_253 = %scan3A_234) -> (i32)  : i32 {
        %mul3A_254 = arith.constant 16 : i32
        %mul3A_255 = arith.muli %scan3A_252, %mul3A_254 : i32
        %add3A_256 = vector.broadcast %mul3A_255 : i32 to vector<16xi32>
        %add3A_257 = arith.addi %iota3A, %add3A_256 : vector<16xi32>
        %add3A_258 = arith.constant 32 : i32
        %add3A_259 = vector.broadcast %add3A_258 : i32 to vector<16xi32>
        %add3A_260 = arith.addi %add3A_257, %add3A_259 : vector<16xi32>
        %add3A_261 = arith.constant 64 : i32
        %add3A_262 = vector.broadcast %add3A_261 : i32 to vector<16xi32>
        %add3A_263 = arith.addi %add3A_257, %add3A_262 : vector<16xi32>
        %mul3A_264 = arith.constant 16 : i32
        %mul3A_265 = arith.muli %scan3A_252, %mul3A_264 : i32
        %get3A_266 = arith.index_cast %mul3A_265 : i32 to index
        %get3A_267 = tpu.vector_load %arg17[%get3A_266] {strides = array<i32>} : memref<32xf32, #tpu.memory_space<vmem>>, vector<16xf32>,
        %broadcast_in_dim3A = arith.constant 0.000000e+00 : f32
        %broadcast_in_dim3A_268 = vector.broadcast %broadcast_in_dim3A : f32 to vector<16xf32>
        %scan3A_269 = arith.constant 0 : i32
        %scan3A_270 = arith.constant 16 : i32
        %scan3A_271 = arith.addi %scan3A_269, %scan3A_270 : i32
        %scan3A_272 = arith.constant 1 : i32
        %scan3A_273:4 = scf.for %scan3A_310 = %scan3A_269 to %scan3A_271 step %scan3A_272 iter_args(%scan3A_311 = %broadcast_in_dim3A_268, %scan3A_312 = %broadcast_in_dim3A_268, %scan3A_313 = %broadcast_in_dim3A_268, %scan3A_314 = %broadcast_in_dim3A_268) -> (vector<16xf32>, vector<16xf32>, vector<16xf32>, vector<16xf32>)  : i32 {
          %mul3A_315 = arith.constant 2 : i32
          %mul3A_316 = arith.muli %scan3A_310, %mul3A_315 : i32
          %add3A_317 = arith.constant 0 : i32
          %add3A_318 = arith.addi %mul3A_316, %add3A_317 : i32
          %add3A_319 = vector.broadcast %add3A_318 : i32 to vector<16xi32>
          %add3A_320 = arith.addi %iota3A, %add3A_319 : vector<16xi32>
          %and3A = arith.constant 31 : i32
          %and3A_321 = vector.broadcast %and3A : i32 to vector<16xi32>
          %and3A_322 = arith.andi %add3A_320, %and3A_321 : vector<16xi32>
          %add3A_323 = arith.constant 0 : i32
          %add3A_324 = vector.broadcast %add3A_323 : i32 to vector<16xi32>
          %add3A_325 = arith.addi %and3A_322, %add3A_324 : vector<16xi32>
          %gather3A = tpu.vector_load_idx %arg11[%add3A_257, %add3A_325] : memref<96x128xf32, #tpu.memory_space<vmem>>[vector<16xi32>, vector<16xi32>], vector<16xf32>,
          %gather3A_326 = tpu.vector_load_idx %arg11[%add3A_260, %add3A_325] : memref<96x128xf32, #tpu.memory_space<vmem>>[vector<16xi32>, vector<16xi32>], vector<16xf32>,
          %mul3A_327 = arith.mulf %gather3A, %gather3A_326 : vector<16xf32>
          %add3A_328 = arith.addf %scan3A_311, %mul3A_327 : vector<16xf32>
          %add3A_329 = arith.constant 32 : i32
          %add3A_330 = vector.broadcast %add3A_329 : i32 to vector<16xi32>
          %add3A_331 = arith.addi %and3A_322, %add3A_330 : vector<16xi32>
          %gather3A_332 = tpu.vector_load_idx %arg11[%add3A_257, %add3A_331] : memref<96x128xf32, #tpu.memory_space<vmem>>[vector<16xi32>, vector<16xi32>], vector<16xf32>,
          %gather3A_333 = tpu.vector_load_idx %arg11[%add3A_260, %add3A_331] : memref<96x128xf32, #tpu.memory_space<vmem>>[vector<16xi32>, vector<16xi32>], vector<16xf32>,
          %mul3A_334 = arith.mulf %gather3A_332, %gather3A_333 : vector<16xf32>
          %add3A_335 = arith.addf %scan3A_312, %mul3A_334 : vector<16xf32>
          %add3A_336 = arith.constant 64 : i32
          %add3A_337 = vector.broadcast %add3A_336 : i32 to vector<16xi32>
          %add3A_338 = arith.addi %and3A_322, %add3A_337 : vector<16xi32>
          %gather3A_339 = tpu.vector_load_idx %arg11[%add3A_257, %add3A_338] : memref<96x128xf32, #tpu.memory_space<vmem>>[vector<16xi32>, vector<16xi32>], vector<16xf32>,
          %gather3A_340 = tpu.vector_load_idx %arg11[%add3A_260, %add3A_338] : memref<96x128xf32, #tpu.memory_space<vmem>>[vector<16xi32>, vector<16xi32>], vector<16xf32>,
          %mul3A_341 = arith.mulf %gather3A_339, %gather3A_340 : vector<16xf32>
          %add3A_342 = arith.addf %scan3A_313, %mul3A_341 : vector<16xf32>
          %add3A_343 = arith.constant 96 : i32
          %add3A_344 = vector.broadcast %add3A_343 : i32 to vector<16xi32>
          %add3A_345 = arith.addi %and3A_322, %add3A_344 : vector<16xi32>
          %gather3A_346 = tpu.vector_load_idx %arg11[%add3A_257, %add3A_345] : memref<96x128xf32, #tpu.memory_space<vmem>>[vector<16xi32>, vector<16xi32>], vector<16xf32>,
          %gather3A_347 = tpu.vector_load_idx %arg11[%add3A_260, %add3A_345] : memref<96x128xf32, #tpu.memory_space<vmem>>[vector<16xi32>, vector<16xi32>], vector<16xf32>,
          %mul3A_348 = arith.mulf %gather3A_346, %gather3A_347 : vector<16xf32>
          %add3A_349 = arith.addf %scan3A_314, %mul3A_348 : vector<16xf32>
          %mul3A_350 = arith.constant 2 : i32
          %mul3A_351 = arith.muli %scan3A_310, %mul3A_350 : i32
          %add3A_352 = arith.constant 1 : i32
          %add3A_353 = arith.addi %mul3A_351, %add3A_352 : i32
          %add3A_354 = vector.broadcast %add3A_353 : i32 to vector<16xi32>
          %add3A_355 = arith.addi %iota3A, %add3A_354 : vector<16xi32>
          %and3A_356 = arith.constant 31 : i32
          %and3A_357 = vector.broadcast %and3A_356 : i32 to vector<16xi32>
          %and3A_358 = arith.andi %add3A_355, %and3A_357 : vector<16xi32>
          %add3A_359 = arith.constant 0 : i32
          %add3A_360 = vector.broadcast %add3A_359 : i32 to vector<16xi32>
          %add3A_361 = arith.addi %and3A_358, %add3A_360 : vector<16xi32>
          %gather3A_362 = tpu.vector_load_idx %arg11[%add3A_257, %add3A_361] : memref<96x128xf32, #tpu.memory_space<vmem>>[vector<16xi32>, vector<16xi32>], vector<16xf32>,
          %gather3A_363 = tpu.vector_load_idx %arg11[%add3A_260, %add3A_361] : memref<96x128xf32, #tpu.memory_space<vmem>>[vector<16xi32>, vector<16xi32>], vector<16xf32>,
          %mul3A_364 = arith.mulf %gather3A_362, %gather3A_363 : vector<16xf32>
          %add3A_365 = arith.addf %add3A_328, %mul3A_364 : vector<16xf32>
          %add3A_366 = arith.constant 32 : i32
          %add3A_367 = vector.broadcast %add3A_366 : i32 to vector<16xi32>
          %add3A_368 = arith.addi %and3A_358, %add3A_367 : vector<16xi32>
          %gather3A_369 = tpu.vector_load_idx %arg11[%add3A_257, %add3A_368] : memref<96x128xf32, #tpu.memory_space<vmem>>[vector<16xi32>, vector<16xi32>], vector<16xf32>,
          %gather3A_370 = tpu.vector_load_idx %arg11[%add3A_260, %add3A_368] : memref<96x128xf32, #tpu.memory_space<vmem>>[vector<16xi32>, vector<16xi32>], vector<16xf32>,
          %mul3A_371 = arith.mulf %gather3A_369, %gather3A_370 : vector<16xf32>
          %add3A_372 = arith.addf %add3A_335, %mul3A_371 : vector<16xf32>
          %add3A_373 = arith.constant 64 : i32
          %add3A_374 = vector.broadcast %add3A_373 : i32 to vector<16xi32>
          %add3A_375 = arith.addi %and3A_358, %add3A_374 : vector<16xi32>
          %gather3A_376 = tpu.vector_load_idx %arg11[%add3A_257, %add3A_375] : memref<96x128xf32, #tpu.memory_space<vmem>>[vector<16xi32>, vector<16xi32>], vector<16xf32>,
          %gather3A_377 = tpu.vector_load_idx %arg11[%add3A_260, %add3A_375] : memref<96x128xf32, #tpu.memory_space<vmem>>[vector<16xi32>, vector<16xi32>], vector<16xf32>,
          %mul3A_378 = arith.mulf %gather3A_376, %gather3A_377 : vector<16xf32>
          %add3A_379 = arith.addf %add3A_342, %mul3A_378 : vector<16xf32>
          %add3A_380 = arith.constant 96 : i32
          %add3A_381 = vector.broadcast %add3A_380 : i32 to vector<16xi32>
          %add3A_382 = arith.addi %and3A_358, %add3A_381 : vector<16xi32>
          %gather3A_383 = tpu.vector_load_idx %arg11[%add3A_257, %add3A_382] : memref<96x128xf32, #tpu.memory_space<vmem>>[vector<16xi32>, vector<16xi32>], vector<16xf32>,
          %gather3A_384 = tpu.vector_load_idx %arg11[%add3A_260, %add3A_382] : memref<96x128xf32, #tpu.memory_space<vmem>>[vector<16xi32>, vector<16xi32>], vector<16xf32>,
          %mul3A_385 = arith.mulf %gather3A_383, %gather3A_384 : vector<16xf32>
          %add3A_386 = arith.addf %add3A_349, %mul3A_385 : vector<16xf32>
          scf.yield %add3A_365, %add3A_372, %add3A_379, %add3A_386 : vector<16xf32>, vector<16xf32>, vector<16xf32>, vector<16xf32>
        }
        %scan3A_274 = arith.constant 16 : i32
        %mul3A_275 = arith.constant 0.176776692 : f32
        %mul3A_276 = vector.broadcast %mul3A_275 : f32 to vector<16xf32>
        %mul3A_277 = arith.mulf %scan3A_273#0, %mul3A_276 : vector<16xf32>
        %exp3A = math.exp %mul3A_277 : vector<16xf32>
        %mul3A_278 = arith.mulf %exp3A, %get3A_267 : vector<16xf32>
        %broadcast_in_dim3A_279 = arith.constant 128 : i32
        %broadcast_in_dim3A_280 = vector.broadcast %broadcast_in_dim3A_279 : i32 to vector<16xi32>
        tpu.vector_store_idx %arg13[%add3A_257, %broadcast_in_dim3A_280], %mul3A_278 : memref<32x144xf32, #tpu.memory_space<vmem>>[vector<16xi32>, vector<16xi32>], vector<16xf32>,
        %mul3A_281 = arith.constant 0.176776692 : f32
        %mul3A_282 = vector.broadcast %mul3A_281 : f32 to vector<16xf32>
        %mul3A_283 = arith.mulf %scan3A_273#1, %mul3A_282 : vector<16xf32>
        %exp3A_284 = math.exp %mul3A_283 : vector<16xf32>
        %mul3A_285 = arith.mulf %exp3A_284, %get3A_267 : vector<16xf32>
        %broadcast_in_dim3A_286 = arith.constant 129 : i32
        %broadcast_in_dim3A_287 = vector.broadcast %broadcast_in_dim3A_286 : i32 to vector<16xi32>
        tpu.vector_store_idx %arg13[%add3A_257, %broadcast_in_dim3A_287], %mul3A_285 : memref<32x144xf32, #tpu.memory_space<vmem>>[vector<16xi32>, vector<16xi32>], vector<16xf32>,
        %mul3A_288 = arith.constant 0.176776692 : f32
        %mul3A_289 = vector.broadcast %mul3A_288 : f32 to vector<16xf32>
        %mul3A_290 = arith.mulf %scan3A_273#2, %mul3A_289 : vector<16xf32>
        %exp3A_291 = math.exp %mul3A_290 : vector<16xf32>
        %mul3A_292 = arith.mulf %exp3A_291, %get3A_267 : vector<16xf32>
        %broadcast_in_dim3A_293 = arith.constant 130 : i32
        %broadcast_in_dim3A_294 = vector.broadcast %broadcast_in_dim3A_293 : i32 to vector<16xi32>
        tpu.vector_store_idx %arg13[%add3A_257, %broadcast_in_dim3A_294], %mul3A_292 : memref<32x144xf32, #tpu.memory_space<vmem>>[vector<16xi32>, vector<16xi32>], vector<16xf32>,
        %mul3A_295 = arith.constant 0.176776692 : f32
        %mul3A_296 = vector.broadcast %mul3A_295 : f32 to vector<16xf32>
        %mul3A_297 = arith.mulf %scan3A_273#3, %mul3A_296 : vector<16xf32>
        %exp3A_298 = math.exp %mul3A_297 : vector<16xf32>
        %mul3A_299 = arith.mulf %exp3A_298, %get3A_267 : vector<16xf32>
        %broadcast_in_dim3A_300 = arith.constant 131 : i32
        %broadcast_in_dim3A_301 = vector.broadcast %broadcast_in_dim3A_300 : i32 to vector<16xi32>
        tpu.vector_store_idx %arg13[%add3A_257, %broadcast_in_dim3A_301], %mul3A_299 : memref<32x144xf32, #tpu.memory_space<vmem>>[vector<16xi32>, vector<16xi32>], vector<16xf32>,
        %scan3A_302 = arith.constant 0 : i32
        %scan3A_303 = arith.constant 0 : i32
        %scan3A_304 = arith.constant 16 : i32
        %scan3A_305 = arith.addi %scan3A_303, %scan3A_304 : i32
        %scan3A_306 = arith.constant 1 : i32
        %scan3A_307 = scf.for %scan3A_310 = %scan3A_303 to %scan3A_305 step %scan3A_306 iter_args(%scan3A_311 = %scan3A_302) -> (i32)  : i32 {
          %mul3A_312 = arith.constant 2 : i32
          %mul3A_313 = arith.muli %scan3A_310, %mul3A_312 : i32
          %add3A_314 = arith.constant 0 : i32
          %add3A_315 = arith.addi %mul3A_313, %add3A_314 : i32
          %add3A_316 = vector.broadcast %add3A_315 : i32 to vector<16xi32>
          %add3A_317 = arith.addi %iota3A, %add3A_316 : vector<16xi32>
          %and3A = arith.constant 31 : i32
          %and3A_318 = vector.broadcast %and3A : i32 to vector<16xi32>
          %and3A_319 = arith.andi %add3A_317, %and3A_318 : vector<16xi32>
          %add3A_320 = arith.constant 0 : i32
          %add3A_321 = vector.broadcast %add3A_320 : i32 to vector<16xi32>
          %add3A_322 = arith.addi %and3A_319, %add3A_321 : vector<16xi32>
          %gather3A = tpu.vector_load_idx %arg11[%add3A_263, %add3A_322] : memref<96x128xf32, #tpu.memory_space<vmem>>[vector<16xi32>, vector<16xi32>], vector<16xf32>,
          %mul3A_323 = arith.mulf %gather3A, %mul3A_278 : vector<16xf32>
          tpu.vector_store_idx %arg13[%add3A_257, %add3A_322], %mul3A_323 : memref<32x144xf32, #tpu.memory_space<vmem>>[vector<16xi32>, vector<16xi32>], vector<16xf32>,
          %add3A_324 = arith.constant 32 : i32
          %add3A_325 = vector.broadcast %add3A_324 : i32 to vector<16xi32>
          %add3A_326 = arith.addi %and3A_319, %add3A_325 : vector<16xi32>
          %gather3A_327 = tpu.vector_load_idx %arg11[%add3A_263, %add3A_326] : memref<96x128xf32, #tpu.memory_space<vmem>>[vector<16xi32>, vector<16xi32>], vector<16xf32>,
          %mul3A_328 = arith.mulf %gather3A_327, %mul3A_285 : vector<16xf32>
          tpu.vector_store_idx %arg13[%add3A_257, %add3A_326], %mul3A_328 : memref<32x144xf32, #tpu.memory_space<vmem>>[vector<16xi32>, vector<16xi32>], vector<16xf32>,
          %add3A_329 = arith.constant 64 : i32
          %add3A_330 = vector.broadcast %add3A_329 : i32 to vector<16xi32>
          %add3A_331 = arith.addi %and3A_319, %add3A_330 : vector<16xi32>
          %gather3A_332 = tpu.vector_load_idx %arg11[%add3A_263, %add3A_331] : memref<96x128xf32, #tpu.memory_space<vmem>>[vector<16xi32>, vector<16xi32>], vector<16xf32>,
          %mul3A_333 = arith.mulf %gather3A_332, %mul3A_292 : vector<16xf32>
          tpu.vector_store_idx %arg13[%add3A_257, %add3A_331], %mul3A_333 : memref<32x144xf32, #tpu.memory_space<vmem>>[vector<16xi32>, vector<16xi32>], vector<16xf32>,
          %add3A_334 = arith.constant 96 : i32
          %add3A_335 = vector.broadcast %add3A_334 : i32 to vector<16xi32>
          %add3A_336 = arith.addi %and3A_319, %add3A_335 : vector<16xi32>
          %gather3A_337 = tpu.vector_load_idx %arg11[%add3A_263, %add3A_336] : memref<96x128xf32, #tpu.memory_space<vmem>>[vector<16xi32>, vector<16xi32>], vector<16xf32>,
          %mul3A_338 = arith.mulf %gather3A_337, %mul3A_299 : vector<16xf32>
          tpu.vector_store_idx %arg13[%add3A_257, %add3A_336], %mul3A_338 : memref<32x144xf32, #tpu.memory_space<vmem>>[vector<16xi32>, vector<16xi32>], vector<16xf32>,
          %mul3A_339 = arith.constant 2 : i32
          %mul3A_340 = arith.muli %scan3A_310, %mul3A_339 : i32
          %add3A_341 = arith.constant 1 : i32
          %add3A_342 = arith.addi %mul3A_340, %add3A_341 : i32
          %add3A_343 = vector.broadcast %add3A_342 : i32 to vector<16xi32>
          %add3A_344 = arith.addi %iota3A, %add3A_343 : vector<16xi32>
          %and3A_345 = arith.constant 31 : i32
          %and3A_346 = vector.broadcast %and3A_345 : i32 to vector<16xi32>
          %and3A_347 = arith.andi %add3A_344, %and3A_346 : vector<16xi32>
          %add3A_348 = arith.constant 0 : i32
          %add3A_349 = vector.broadcast %add3A_348 : i32 to vector<16xi32>
          %add3A_350 = arith.addi %and3A_347, %add3A_349 : vector<16xi32>
          %gather3A_351 = tpu.vector_load_idx %arg11[%add3A_263, %add3A_350] : memref<96x128xf32, #tpu.memory_space<vmem>>[vector<16xi32>, vector<16xi32>], vector<16xf32>,
          %mul3A_352 = arith.mulf %gather3A_351, %mul3A_278 : vector<16xf32>
          tpu.vector_store_idx %arg13[%add3A_257, %add3A_350], %mul3A_352 : memref<32x144xf32, #tpu.memory_space<vmem>>[vector<16xi32>, vector<16xi32>], vector<16xf32>,
          %add3A_353 = arith.constant 32 : i32
          %add3A_354 = vector.broadcast %add3A_353 : i32 to vector<16xi32>
          %add3A_355 = arith.addi %and3A_347, %add3A_354 : vector<16xi32>
          %gather3A_356 = tpu.vector_load_idx %arg11[%add3A_263, %add3A_355] : memref<96x128xf32, #tpu.memory_space<vmem>>[vector<16xi32>, vector<16xi32>], vector<16xf32>,
          %mul3A_357 = arith.mulf %gather3A_356, %mul3A_285 : vector<16xf32>
          tpu.vector_store_idx %arg13[%add3A_257, %add3A_355], %mul3A_357 : memref<32x144xf32, #tpu.memory_space<vmem>>[vector<16xi32>, vector<16xi32>], vector<16xf32>,
          %add3A_358 = arith.constant 64 : i32
          %add3A_359 = vector.broadcast %add3A_358 : i32 to vector<16xi32>
          %add3A_360 = arith.addi %and3A_347, %add3A_359 : vector<16xi32>
          %gather3A_361 = tpu.vector_load_idx %arg11[%add3A_263, %add3A_360] : memref<96x128xf32, #tpu.memory_space<vmem>>[vector<16xi32>, vector<16xi32>], vector<16xf32>,
          %mul3A_362 = arith.mulf %gather3A_361, %mul3A_292 : vector<16xf32>
          tpu.vector_store_idx %arg13[%add3A_257, %add3A_360], %mul3A_362 : memref<32x144xf32, #tpu.memory_space<vmem>>[vector<16xi32>, vector<16xi32>], vector<16xf32>,
          %add3A_363 = arith.constant 96 : i32
          %add3A_364 = vector.broadcast %add3A_363 : i32 to vector<16xi32>
          %add3A_365 = arith.addi %and3A_347, %add3A_364 : vector<16xi32>
          %gather3A_366 = tpu.vector_load_idx %arg11[%add3A_263, %add3A_365] : memref<96x128xf32, #tpu.memory_space<vmem>>[vector<16xi32>, vector<16xi32>], vector<16xf32>,
          %mul3A_367 = arith.mulf %gather3A_366, %mul3A_299 : vector<16xf32>
          tpu.vector_store_idx %arg13[%add3A_257, %add3A_365], %mul3A_367 : memref<32x144xf32, #tpu.memory_space<vmem>>[vector<16xi32>, vector<16xi32>], vector<16xf32>,
          %scan3A_368 = arith.constant 0 : i32
          scf.yield %scan3A_368 : i32
        }
        %scan3A_308 = arith.constant 16 : i32
        %scan3A_309 = arith.constant 0 : i32
        scf.yield %scan3A_309 : i32
      }
      %scan3A_240 = arith.constant 2 : i32
      %dma_start3A_241 = arith.constant 0 : i32
      %dma_start3A_242 = arith.constant 0 : i32
      %dma_start3A_243 = tpu.memref_slice %arg18[%dma_start3A_241, %dma_start3A_242] : memref<10000x144xf32, #tpu.memory_space<vmem_shared>> -> memref<10000x144xf32, #tpu.memory_space<vmem_shared>>
      tpu.enqueue_indirect_dma source(%arg13 : memref<32x144xf32, #tpu.memory_space<vmem>>) target(%dma_start3A_243 : memref<10000x144xf32, #tpu.memory_space<vmem_shared>>) offsets(%arg15 : memref<32xi32, #tpu.memory_space<vmem>>) semaphore(%arg24 : memref<!tpu.dma_semaphore, #tpu.memory_space<semaphore_mem>>) {add = true}
      %add3A_244 = arith.constant 2 : i32
      %add3A_245 = arith.addi %add3A_200, %add3A_244 : i32
      %lt3A_246 = arith.constant 320 : i32
      %lt3A_247 = arith.cmpi slt, %add3A_245, %lt3A_246 : i32
      %convert_element_type3A_248 = arith.extui %lt3A_247 : i1 to i32
      %cond3A_249 = arith.constant 0 : i32
      %cond3A_250 = arith.cmpi ne, %convert_element_type3A_248, %cond3A_249 : i32
      scf.if %cond3A_250 {
        %add3A_252 = arith.constant 2 : i32
        %add3A_253 = arith.addi %add3A_200, %add3A_252 : i32
        %mul3A_254 = arith.constant 320 : i32
        %mul3A_255 = arith.muli %arg1, %mul3A_254 : i32
        %add3A_256 = arith.addi %mul3A_255, %add3A_253 : i32
        %mul3A_257 = arith.constant 3 : i32
        %mul3A_258 = arith.muli %add3A_256, %mul3A_257 : i32
        %mul3A_259 = arith.constant 32 : i32
        %mul3A_260 = arith.muli %mul3A_258, %mul3A_259 : i32
        %dma_wait3A_261 = tpu.memref_slice %arg3[%mul3A_260] : memref<491520xi32, #tpu.memory_space<hbm>> -> memref<96xi32, #tpu.memory_space<hbm>>
        %dma_wait3A_262 = tpu.memref_slice %arg3[%mul3A_260] : memref<491520xi32, #tpu.memory_space<hbm>> -> memref<96xi32, #tpu.memory_space<hbm>>
        tpu.wait_dma2 semaphore(%arg22 : memref<!tpu.dma_semaphore, #tpu.memory_space<semaphore_mem>>) src(%dma_wait3A_262 : memref<96xi32, #tpu.memory_space<hbm>>) dst(%arg7 : memref<96xi32, #tpu.memory_space<vmem>>)
        %get3A_263 = arith.constant 0 : index
        %get3A_264 = tpu.vector_load %arg7[%get3A_263] {strides = array<i32>} : memref<96xi32, #tpu.memory_space<vmem>>, vector<16xi32>,
        %get3A_265 = arith.constant 32 : index
        %get3A_266 = tpu.vector_load %arg7[%get3A_265] {strides = array<i32>} : memref<96xi32, #tpu.memory_space<vmem>>, vector<16xi32>,
        %add3A_267 = vector.broadcast %mul3A_0 : i32 to vector<16xi32>
        %add3A_268 = arith.addi %get3A_264, %add3A_267 : vector<16xi32>
        %swap3A_269 = arith.constant 0 : index
        %swap3A_270 = tpu.vector_load %arg9[%swap3A_269] {strides = array<i32>} : memref<96xi32, #tpu.memory_space<vmem>>, vector<16xi32>,
        tpu.vector_store %arg9[%swap3A_269], %add3A_268 {strides = array<i32>} : memref<96xi32, #tpu.memory_space<vmem>>, vector<16xi32>,
        %add3A_271 = arith.constant 20000 : i32
        %add3A_272 = arith.addi %add3A_271, %mul3A_0 : i32
        %add3A_273 = vector.broadcast %add3A_272 : i32 to vector<16xi32>
        %add3A_274 = arith.addi %get3A_266, %add3A_273 : vector<16xi32>
        %swap3A_275 = arith.constant 32 : index
        %swap3A_276 = tpu.vector_load %arg9[%swap3A_275] {strides = array<i32>} : memref<96xi32, #tpu.memory_space<vmem>>, vector<16xi32>,
        tpu.vector_store %arg9[%swap3A_275], %add3A_274 {strides = array<i32>} : memref<96xi32, #tpu.memory_space<vmem>>, vector<16xi32>,
        %add3A_277 = arith.constant 40000 : i32
        %add3A_278 = arith.addi %add3A_277, %mul3A_0 : i32
        %add3A_279 = vector.broadcast %add3A_278 : i32 to vector<16xi32>
        %add3A_280 = arith.addi %get3A_266, %add3A_279 : vector<16xi32>
        %swap3A_281 = arith.constant 64 : index
        %swap3A_282 = tpu.vector_load %arg9[%swap3A_281] {strides = array<i32>} : memref<96xi32, #tpu.memory_space<vmem>>, vector<16xi32>,
        tpu.vector_store %arg9[%swap3A_281], %add3A_280 {strides = array<i32>} : memref<96xi32, #tpu.memory_space<vmem>>, vector<16xi32>,
        %get3A_283 = arith.constant 16 : index
        %get3A_284 = tpu.vector_load %arg7[%get3A_283] {strides = array<i32>} : memref<96xi32, #tpu.memory_space<vmem>>, vector<16xi32>,
        %get3A_285 = arith.constant 48 : index
        %get3A_286 = tpu.vector_load %arg7[%get3A_285] {strides = array<i32>} : memref<96xi32, #tpu.memory_space<vmem>>, vector<16xi32>,
        %add3A_287 = vector.broadcast %mul3A_0 : i32 to vector<16xi32>
        %add3A_288 = arith.addi %get3A_284, %add3A_287 : vector<16xi32>
        %swap3A_289 = arith.constant 16 : index
        %swap3A_290 = tpu.vector_load %arg9[%swap3A_289] {strides = array<i32>} : memref<96xi32, #tpu.memory_space<vmem>>, vector<16xi32>,
        tpu.vector_store %arg9[%swap3A_289], %add3A_288 {strides = array<i32>} : memref<96xi32, #tpu.memory_space<vmem>>, vector<16xi32>,
        %add3A_291 = arith.constant 20000 : i32
        %add3A_292 = arith.addi %add3A_291, %mul3A_0 : i32
        %add3A_293 = vector.broadcast %add3A_292 : i32 to vector<16xi32>
        %add3A_294 = arith.addi %get3A_286, %add3A_293 : vector<16xi32>
        %swap3A_295 = arith.constant 48 : index
        %swap3A_296 = tpu.vector_load %arg9[%swap3A_295] {strides = array<i32>} : memref<96xi32, #tpu.memory_space<vmem>>, vector<16xi32>,
        tpu.vector_store %arg9[%swap3A_295], %add3A_294 {strides = array<i32>} : memref<96xi32, #tpu.memory_space<vmem>>, vector<16xi32>,
        %add3A_297 = arith.constant 40000 : i32
        %add3A_298 = arith.addi %add3A_297, %mul3A_0 : i32
        %add3A_299 = vector.broadcast %add3A_298 : i32 to vector<16xi32>
        %add3A_300 = arith.addi %get3A_286, %add3A_299 : vector<16xi32>
        %swap3A_301 = arith.constant 80 : index
        %swap3A_302 = tpu.vector_load %arg9[%swap3A_301] {strides = array<i32>} : memref<96xi32, #tpu.memory_space<vmem>>, vector<16xi32>,
        tpu.vector_store %arg9[%swap3A_301], %add3A_300 {strides = array<i32>} : memref<96xi32, #tpu.memory_space<vmem>>, vector<16xi32>,
        %dma_start3A_303 = arith.constant 0 : i32
        %dma_start3A_304 = arith.constant 0 : i32
        %dma_start3A_305 = tpu.memref_slice %arg2[%dma_start3A_303, %dma_start3A_304] : memref<60000x128xf32, #tpu.memory_space<hbm>> -> memref<60000x128xf32, #tpu.memory_space<hbm>>
        tpu.enqueue_indirect_dma source(%dma_start3A_305 : memref<60000x128xf32, #tpu.memory_space<hbm>>) target(%arg11 : memref<96x128xf32, #tpu.memory_space<vmem>>) offsets(%arg9 : memref<96xi32, #tpu.memory_space<vmem>>) semaphore(%arg20 : memref<!tpu.dma_semaphore, #tpu.memory_space<semaphore_mem>>)
      } else {
      }
      %scan3A_251 = arith.constant 0 : i32
      scf.yield %scan3A_251 : i32
    }
    %scan3A_133 = arith.constant 160 : i32
    %dma_wait3A_134 = arith.constant 0 : i32
    %dma_wait3A_135 = arith.constant 0 : i32
    %dma_wait3A_136 = tpu.memref_slice %arg18[%dma_wait3A_134, %dma_wait3A_135] : memref<10000x144xf32, #tpu.memory_space<vmem_shared>> -> memref<10000x144xf32, #tpu.memory_space<vmem_shared>>
    tpu.wait_indirect_dma semaphore(%arg23 : memref<!tpu.dma_semaphore, #tpu.memory_space<semaphore_mem>>) src(%arg12 : memref<32x144xf32, #tpu.memory_space<vmem>>) dst(%dma_wait3A_136 : memref<10000x144xf32, #tpu.memory_space<vmem_shared>>)
    %dma_wait3A_137 = arith.constant 0 : i32
    %dma_wait3A_138 = arith.constant 0 : i32
    %dma_wait3A_139 = tpu.memref_slice %arg18[%dma_wait3A_137, %dma_wait3A_138] : memref<10000x144xf32, #tpu.memory_space<vmem_shared>> -> memref<10000x144xf32, #tpu.memory_space<vmem_shared>>
    tpu.wait_indirect_dma semaphore(%arg24 : memref<!tpu.dma_semaphore, #tpu.memory_space<semaphore_mem>>) src(%arg13 : memref<32x144xf32, #tpu.memory_space<vmem>>) dst(%dma_wait3A_139 : memref<10000x144xf32, #tpu.memory_space<vmem_shared>>)
    %barrier3A_140 = arith.constant 0 : index
    tpu.barrier barrier_id(%barrier3A_140)
    %mul3A_141 = arith.constant 625 : i32
    %mul3A_142 = arith.muli %arg1, %mul3A_141 : i32
    %mul3A_143 = arith.constant 625 : i32
    %mul3A_144 = arith.muli %arg1, %mul3A_143 : i32
    %add3A_145 = arith.addi %mul3A_2, %mul3A_144 : i32
    "tpu.region"() ({
      %run_scoped3A = tpu.sem_alloc : memref<!tpu.dma_semaphore, #tpu.memory_space<semaphore_mem>>
      %dma_start3A_146 = arith.constant 0 : i32
      %dma_start3A_147 = tpu.memref_slice %arg5[%add3A_145, %dma_start3A_146] : memref<20000x144xf32, #tpu.memory_space<hbm>> -> memref<625x144xf32, #tpu.memory_space<hbm>>
      %dma_start3A_148 = arith.constant 0 : i32
      %dma_start3A_149 = tpu.memref_slice %arg18[%mul3A_142, %dma_start3A_148] : memref<10000x144xf32, #tpu.memory_space<vmem_shared>> -> memref<625x144xf32, #tpu.memory_space<vmem_shared>>
      tpu.enqueue_dma source(%dma_start3A_149 : memref<625x144xf32, #tpu.memory_space<vmem_shared>>) target(%dma_start3A_147 : memref<625x144xf32, #tpu.memory_space<hbm>>) target_semaphore(%run_scoped3A : memref<!tpu.dma_semaphore, #tpu.memory_space<semaphore_mem>>)
      %dma_wait3A_150 = arith.constant 0 : i32
      %dma_wait3A_151 = tpu.memref_slice %arg5[%add3A_145, %dma_wait3A_150] : memref<20000x144xf32, #tpu.memory_space<hbm>> -> memref<625x144xf32, #tpu.memory_space<hbm>>
      %dma_wait3A_152 = arith.constant 0 : i32
      %dma_wait3A_153 = tpu.memref_slice %arg18[%mul3A_142, %dma_wait3A_152] : memref<10000x144xf32, #tpu.memory_space<vmem_shared>> -> memref<625x144xf32, #tpu.memory_space<vmem_shared>>
      tpu.wait_dma2 semaphore(%run_scoped3A : memref<!tpu.dma_semaphore, #tpu.memory_space<semaphore_mem>>) src(%dma_wait3A_153 : memref<625x144xf32, #tpu.memory_space<vmem_shared>>) dst(%dma_wait3A_151 : memref<625x144xf32, #tpu.memory_space<hbm>>)
      tpu.yield
    }) : () -> ()
    return
  }
}

module attributes {stable_mosaic.version = 14 : i64} {
  func.func @_tc_pre_body(%arg0: i32, %arg1: memref<400x256xf32, #tpu.memory_space<vmem>>, %arg2: memref<256x768xf32, #tpu.memory_space<vmem>>, %arg3: memref<256x256xf32, #tpu.memory_space<vmem>>, %arg4: memref<1x256xf32, #tpu.memory_space<vmem>>, %arg5: memref<6x400x128xf32, #tpu.memory_space<vmem>>, %arg6: memref<400x256xf32, #tpu.memory_space<vmem>>) attributes {dimension_semantics = [#tpu.dimension_semantics<arbitrary>], iteration_bounds = array<i64: 25>, scalar_prefetch = 0 : i64, scratch_operands = 0 : i64, tpu.core_type = #tpu.core_type<tc>, window_params = [{transform_indices = @transform_0, window_bounds = array<i64: 400, 256>}, {pipeline_mode = #tpu.pipeline_mode<synchronous>, transform_indices = @transform_1, window_bounds = array<i64: 256, 768>}, {pipeline_mode = #tpu.pipeline_mode<synchronous>, transform_indices = @transform_2, window_bounds = array<i64: 256, 256>}, {pipeline_mode = #tpu.pipeline_mode<synchronous>, transform_indices = @transform_3, window_bounds = array<i64: 1, 256>}, {transform_indices = @transform_4, window_bounds = array<i64: 6, 400, 128>}, {transform_indices = @transform_5, window_bounds = array<i64: 400, 256>}]} {
    %get3A = arith.constant 0 : index
    %get3A_0 = arith.constant 0 : index
    %get3A_1 = vector.load %arg1[%get3A, %get3A_0] : memref<400x256xf32, #tpu.memory_space<vmem>>, vector<400x256xf32>
    %get3A_2 = arith.constant 0 : index
    %get3A_3 = arith.constant 0 : index
    %get3A_4 = vector.load %arg2[%get3A_2, %get3A_3] : memref<256x768xf32, #tpu.memory_space<vmem>>, vector<256x768xf32>
    %dot_general3A = arith.constant dense<0.000000e+00> : vector<400x768xf32>
    %dot_general3A_5 = tpu.matmul %get3A_1, %get3A_4, %dot_general3A {dimension_numbers = #tpu.dot_dimension_numbers<[1], [0], [0], [1], [0, 0, 1, 1], [], []>, transpose_lhs_hint = false} : vector<400x256xf32>, vector<256x768xf32>, vector<400x768xf32> -> vector<400x768xf32>
    %get3A_6 = arith.constant 0 : index
    %get3A_7 = arith.constant 0 : index
    %get3A_8 = vector.load %arg3[%get3A_6, %get3A_7] : memref<256x256xf32, #tpu.memory_space<vmem>>, vector<256x256xf32>
    %dot_general3A_9 = arith.constant dense<0.000000e+00> : vector<400x256xf32>
    %dot_general3A_10 = tpu.matmul %get3A_1, %get3A_8, %dot_general3A_9 {dimension_numbers = #tpu.dot_dimension_numbers<[1], [0], [0], [1], [0, 0, 1, 1], [], []>, transpose_lhs_hint = false} : vector<400x256xf32>, vector<256x256xf32>, vector<400x256xf32> -> vector<400x256xf32>
    %get3A_11 = arith.constant 0 : index
    %get3A_12 = arith.constant 0 : index
    %get3A_13 = vector.load %arg4[%get3A_11, %get3A_12] : memref<1x256xf32, #tpu.memory_space<vmem>>, vector<1x256xf32>
    %add3A = vector.broadcast %get3A_13 : vector<1x256xf32> to vector<400x256xf32>
    %add3A_14 = arith.addf %dot_general3A_10, %add3A : vector<400x256xf32>
    %logistic3A = arith.negf %add3A_14 : vector<400x256xf32>
    %logistic3A_15 = math.exp %logistic3A : vector<400x256xf32>
    %logistic3A_16 = arith.constant 1.000000e+00 : f32
    %logistic3A_17 = vector.broadcast %logistic3A_16 : f32 to vector<400x256xf32>
    %logistic3A_18 = arith.addf %logistic3A_17, %logistic3A_15 : vector<400x256xf32>
    %logistic3A_19 = arith.divf %logistic3A_17, %logistic3A_18 : vector<400x256xf32>
    %swap3A = arith.constant 0 : index
    %swap3A_20 = arith.constant 0 : index
    %swap3A_21 = vector.load %arg6[%swap3A, %swap3A_20] : memref<400x256xf32, #tpu.memory_space<vmem>>, vector<400x256xf32>
    tpu.vector_store %arg6[%swap3A, %swap3A_20], %logistic3A_19 {strides = array<i32>} : memref<400x256xf32, #tpu.memory_space<vmem>>, vector<400x256xf32>,
    %slice3A = vector.extract_strided_slice %dot_general3A_5 {offsets = [0, 0], sizes = [400, 128], strides = [1, 1]} : vector<400x768xf32> to vector<400x128xf32>
    %swap3A_22 = arith.constant 0 : index
    %swap3A_23 = arith.constant 0 : index
    %swap3A_24 = arith.constant 0 : index
    %swap3A_25 = vector.load %arg5[%swap3A_22, %swap3A_23, %swap3A_24] : memref<6x400x128xf32, #tpu.memory_space<vmem>>, vector<1x400x128xf32>
    %swap3A_26 = vector.shape_cast %swap3A_25 : vector<1x400x128xf32> to vector<400x128xf32>
    %swap3A_27 = vector.shape_cast %slice3A : vector<400x128xf32> to vector<1x400x128xf32>
    tpu.vector_store %arg5[%swap3A_22, %swap3A_23, %swap3A_24], %swap3A_27 {strides = array<i32>} : memref<6x400x128xf32, #tpu.memory_space<vmem>>, vector<1x400x128xf32>,
    %slice3A_28 = vector.extract_strided_slice %dot_general3A_5 {offsets = [0, 128], sizes = [400, 128], strides = [1, 1]} : vector<400x768xf32> to vector<400x128xf32>
    %swap3A_29 = arith.constant 1 : index
    %swap3A_30 = arith.constant 0 : index
    %swap3A_31 = arith.constant 0 : index
    %swap3A_32 = vector.load %arg5[%swap3A_29, %swap3A_30, %swap3A_31] : memref<6x400x128xf32, #tpu.memory_space<vmem>>, vector<1x400x128xf32>
    %swap3A_33 = vector.shape_cast %swap3A_32 : vector<1x400x128xf32> to vector<400x128xf32>
    %swap3A_34 = vector.shape_cast %slice3A_28 : vector<400x128xf32> to vector<1x400x128xf32>
    tpu.vector_store %arg5[%swap3A_29, %swap3A_30, %swap3A_31], %swap3A_34 {strides = array<i32>} : memref<6x400x128xf32, #tpu.memory_space<vmem>>, vector<1x400x128xf32>,
    %slice3A_35 = vector.extract_strided_slice %dot_general3A_5 {offsets = [0, 256], sizes = [400, 128], strides = [1, 1]} : vector<400x768xf32> to vector<400x128xf32>
    %swap3A_36 = arith.constant 2 : index
    %swap3A_37 = arith.constant 0 : index
    %swap3A_38 = arith.constant 0 : index
    %swap3A_39 = vector.load %arg5[%swap3A_36, %swap3A_37, %swap3A_38] : memref<6x400x128xf32, #tpu.memory_space<vmem>>, vector<1x400x128xf32>
    %swap3A_40 = vector.shape_cast %swap3A_39 : vector<1x400x128xf32> to vector<400x128xf32>
    %swap3A_41 = vector.shape_cast %slice3A_35 : vector<400x128xf32> to vector<1x400x128xf32>
    tpu.vector_store %arg5[%swap3A_36, %swap3A_37, %swap3A_38], %swap3A_41 {strides = array<i32>} : memref<6x400x128xf32, #tpu.memory_space<vmem>>, vector<1x400x128xf32>,
    %slice3A_42 = vector.extract_strided_slice %dot_general3A_5 {offsets = [0, 384], sizes = [400, 128], strides = [1, 1]} : vector<400x768xf32> to vector<400x128xf32>
    %swap3A_43 = arith.constant 3 : index
    %swap3A_44 = arith.constant 0 : index
    %swap3A_45 = arith.constant 0 : index
    %swap3A_46 = vector.load %arg5[%swap3A_43, %swap3A_44, %swap3A_45] : memref<6x400x128xf32, #tpu.memory_space<vmem>>, vector<1x400x128xf32>
    %swap3A_47 = vector.shape_cast %swap3A_46 : vector<1x400x128xf32> to vector<400x128xf32>
    %swap3A_48 = vector.shape_cast %slice3A_42 : vector<400x128xf32> to vector<1x400x128xf32>
    tpu.vector_store %arg5[%swap3A_43, %swap3A_44, %swap3A_45], %swap3A_48 {strides = array<i32>} : memref<6x400x128xf32, #tpu.memory_space<vmem>>, vector<1x400x128xf32>,
    %slice3A_49 = vector.extract_strided_slice %dot_general3A_5 {offsets = [0, 512], sizes = [400, 128], strides = [1, 1]} : vector<400x768xf32> to vector<400x128xf32>
    %swap3A_50 = arith.constant 4 : index
    %swap3A_51 = arith.constant 0 : index
    %swap3A_52 = arith.constant 0 : index
    %swap3A_53 = vector.load %arg5[%swap3A_50, %swap3A_51, %swap3A_52] : memref<6x400x128xf32, #tpu.memory_space<vmem>>, vector<1x400x128xf32>
    %swap3A_54 = vector.shape_cast %swap3A_53 : vector<1x400x128xf32> to vector<400x128xf32>
    %swap3A_55 = vector.shape_cast %slice3A_49 : vector<400x128xf32> to vector<1x400x128xf32>
    tpu.vector_store %arg5[%swap3A_50, %swap3A_51, %swap3A_52], %swap3A_55 {strides = array<i32>} : memref<6x400x128xf32, #tpu.memory_space<vmem>>, vector<1x400x128xf32>,
    %slice3A_56 = vector.extract_strided_slice %dot_general3A_5 {offsets = [0, 640], sizes = [400, 128], strides = [1, 1]} : vector<400x768xf32> to vector<400x128xf32>
    %swap3A_57 = arith.constant 5 : index
    %swap3A_58 = arith.constant 0 : index
    %swap3A_59 = arith.constant 0 : index
    %swap3A_60 = vector.load %arg5[%swap3A_57, %swap3A_58, %swap3A_59] : memref<6x400x128xf32, #tpu.memory_space<vmem>>, vector<1x400x128xf32>
    %swap3A_61 = vector.shape_cast %swap3A_60 : vector<1x400x128xf32> to vector<400x128xf32>
    %swap3A_62 = vector.shape_cast %slice3A_56 : vector<400x128xf32> to vector<1x400x128xf32>
    tpu.vector_store %arg5[%swap3A_57, %swap3A_58, %swap3A_59], %swap3A_62 {strides = array<i32>} : memref<6x400x128xf32, #tpu.memory_space<vmem>>, vector<1x400x128xf32>,
    return
  }
  func.func @transform_0(%arg0: i32) -> (i32, i32) {
    %c0_i32 = arith.constant 0 : i32
    %c0_i32_0 = arith.constant 0 : i32
    return %arg0, %c0_i32 : i32, i32
  }
  func.func @transform_1(%arg0: i32) -> (i32, i32) {
    %c0_i32 = arith.constant 0 : i32
    %c0_i32_0 = arith.constant 0 : i32
    %c0_i32_1 = arith.constant 0 : i32
    return %c0_i32, %c0_i32_0 : i32, i32
  }
  func.func @transform_2(%arg0: i32) -> (i32, i32) {
    %c0_i32 = arith.constant 0 : i32
    %c0_i32_0 = arith.constant 0 : i32
    %c0_i32_1 = arith.constant 0 : i32
    return %c0_i32, %c0_i32_0 : i32, i32
  }
  func.func @transform_3(%arg0: i32) -> (i32, i32) {
    %c0_i32 = arith.constant 0 : i32
    %c0_i32_0 = arith.constant 0 : i32
    %c0_i32_1 = arith.constant 0 : i32
    return %c0_i32, %c0_i32_0 : i32, i32
  }
  func.func @transform_4(%arg0: i32) -> (i32, i32, i32) {
    %c0_i32 = arith.constant 0 : i32
    %c0_i32_0 = arith.constant 0 : i32
    %c0_i32_1 = arith.constant 0 : i32
    return %c0_i32, %arg0, %c0_i32_0 : i32, i32, i32
  }
  func.func @transform_5(%arg0: i32) -> (i32, i32) {
    %c0_i32 = arith.constant 0 : i32
    %c0_i32_0 = arith.constant 0 : i32
    return %arg0, %c0_i32 : i32, i32
  }
}

module attributes {stable_mosaic.version = 14 : i64} {
  func.func @_tc_post_body(%arg0: i32, %arg1: memref<2x400x144xf32, #tpu.memory_space<vmem>>, %arg2: memref<400x256xf32, #tpu.memory_space<vmem>>, %arg3: memref<256x256xf32, #tpu.memory_space<vmem>>, %arg4: memref<400x256xf32, #tpu.memory_space<vmem>>) attributes {dimension_semantics = [#tpu.dimension_semantics<arbitrary>], iteration_bounds = array<i64: 25>, scalar_prefetch = 0 : i64, scratch_operands = 0 : i64, tpu.core_type = #tpu.core_type<tc>, window_params = [{transform_indices = @transform_0, window_bounds = array<i64: 2, 400, 144>}, {transform_indices = @transform_1, window_bounds = array<i64: 400, 256>}, {pipeline_mode = #tpu.pipeline_mode<synchronous>, transform_indices = @transform_2, window_bounds = array<i64: 256, 256>}, {transform_indices = @transform_3, window_bounds = array<i64: 400, 256>}]} {
    %iota3A = tpu.iota {dimensions = array<i32: 1>} : vector<400x128xi32>
    %jit3A = arith.constant 32 : i32
    %div3A = vector.broadcast %jit3A : i32 to vector<400x128xi32>
    %div3A_0 = arith.divsi %iota3A, %div3A : vector<400x128xi32>
    %sign3A = arith.constant 0 : i32
    %sign3A_1 = vector.broadcast %sign3A : i32 to vector<400x128xi32>
    %sign3A_2 = arith.cmpi sgt, %iota3A, %sign3A_1 : vector<400x128xi32>
    %sign3A_3 = arith.extui %sign3A_2 : vector<400x128xi1> to vector<400x128xi32>
    %sign3A_4 = arith.constant 0 : i32
    %sign3A_5 = vector.broadcast %sign3A_4 : i32 to vector<400x128xi32>
    %sign3A_6 = arith.cmpi slt, %iota3A, %sign3A_5 : vector<400x128xi32>
    %sign3A_7 = arith.extui %sign3A_6 : vector<400x128xi1> to vector<400x128xi32>
    %sign3A_8 = arith.subi %sign3A_3, %sign3A_7 : vector<400x128xi32>
    %sign3A_9 = arith.constant 0 : i32
    %sign3A_10 = arith.cmpi sgt, %jit3A, %sign3A_9 : i32
    %sign3A_11 = arith.extui %sign3A_10 : i1 to i32
    %sign3A_12 = arith.constant 0 : i32
    %sign3A_13 = arith.cmpi slt, %jit3A, %sign3A_12 : i32
    %sign3A_14 = arith.extui %sign3A_13 : i1 to i32
    %sign3A_15 = arith.subi %sign3A_11, %sign3A_14 : i32
    %ne3A = vector.broadcast %sign3A_15 : i32 to vector<400x128xi32>
    %ne3A_16 = arith.cmpi ne, %sign3A_8, %ne3A : vector<400x128xi32>
    %rem3A = vector.broadcast %jit3A : i32 to vector<400x128xi32>
    %rem3A_17 = arith.remsi %iota3A, %rem3A : vector<400x128xi32>
    %ne3A_18 = arith.constant 0 : i32
    %ne3A_19 = vector.broadcast %ne3A_18 : i32 to vector<400x128xi32>
    %ne3A_20 = arith.cmpi ne, %rem3A_17, %ne3A_19 : vector<400x128xi32>
    %and3A = arith.andi %ne3A_16, %ne3A_20 : vector<400x128xi1>
    %sub3A = arith.constant 1 : i32
    %sub3A_21 = vector.broadcast %sub3A : i32 to vector<400x128xi32>
    %sub3A_22 = arith.subi %div3A_0, %sub3A_21 : vector<400x128xi32>
    %select_n3A = arith.select %and3A, %sub3A_22, %div3A_0 : vector<400x128xi1>, vector<400x128xi32>
    %get3A = arith.constant 0 : index
    %get3A_23 = arith.constant 0 : index
    %get3A_24 = arith.constant 0 : index
    %get3A_25 = vector.load %arg1[%get3A, %get3A_23, %get3A_24] : memref<2x400x144xf32, #tpu.memory_space<vmem>>, vector<1x400x144xf32>
    %get3A_26 = vector.shape_cast %get3A_25 : vector<1x400x144xf32> to vector<400x144xf32>
    %get3A_27 = arith.constant 1 : index
    %get3A_28 = arith.constant 0 : index
    %get3A_29 = arith.constant 0 : index
    %get3A_30 = vector.load %arg1[%get3A_27, %get3A_28, %get3A_29] : memref<2x400x144xf32, #tpu.memory_space<vmem>>, vector<1x400x144xf32>
    %get3A_31 = vector.shape_cast %get3A_30 : vector<1x400x144xf32> to vector<400x144xf32>
    %slice3A = vector.extract_strided_slice %get3A_26 {offsets = [0, 0], sizes = [400, 128], strides = [1, 1]} : vector<400x144xf32> to vector<400x128xf32>
    %slice3A_32 = vector.extract_strided_slice %get3A_26 {offsets = [0, 128], sizes = [400, 4], strides = [1, 1]} : vector<400x144xf32> to vector<400x4xf32>
    %slice3A_33 = vector.extract_strided_slice %slice3A_32 {offsets = [0, 0], sizes = [400, 1], strides = [1, 1]} : vector<400x4xf32> to vector<400x1xf32>
    %broadcast_in_dim3A = vector.shape_cast %slice3A_33 : vector<400x1xf32> to vector<400x1xf32>
    %broadcast_in_dim3A_34 = vector.broadcast %broadcast_in_dim3A : vector<400x1xf32> to vector<400x128xf32>
    %eq3A = arith.constant 1 : i32
    %eq3A_35 = vector.broadcast %eq3A : i32 to vector<400x128xi32>
    %eq3A_36 = arith.cmpi eq, %select_n3A, %eq3A_35 : vector<400x128xi32>
    %slice3A_37 = vector.extract_strided_slice %slice3A_32 {offsets = [0, 1], sizes = [400, 1], strides = [1, 1]} : vector<400x4xf32> to vector<400x1xf32>
    %broadcast_in_dim3A_38 = vector.shape_cast %slice3A_37 : vector<400x1xf32> to vector<400x1xf32>
    %broadcast_in_dim3A_39 = vector.broadcast %broadcast_in_dim3A_38 : vector<400x1xf32> to vector<400x128xf32>
    %select_n3A_40 = arith.select %eq3A_36, %broadcast_in_dim3A_39, %broadcast_in_dim3A_34 : vector<400x128xi1>, vector<400x128xf32>
    %eq3A_41 = arith.constant 2 : i32
    %eq3A_42 = vector.broadcast %eq3A_41 : i32 to vector<400x128xi32>
    %eq3A_43 = arith.cmpi eq, %select_n3A, %eq3A_42 : vector<400x128xi32>
    %slice3A_44 = vector.extract_strided_slice %slice3A_32 {offsets = [0, 2], sizes = [400, 1], strides = [1, 1]} : vector<400x4xf32> to vector<400x1xf32>
    %broadcast_in_dim3A_45 = vector.shape_cast %slice3A_44 : vector<400x1xf32> to vector<400x1xf32>
    %broadcast_in_dim3A_46 = vector.broadcast %broadcast_in_dim3A_45 : vector<400x1xf32> to vector<400x128xf32>
    %select_n3A_47 = arith.select %eq3A_43, %broadcast_in_dim3A_46, %select_n3A_40 : vector<400x128xi1>, vector<400x128xf32>
    %eq3A_48 = arith.constant 3 : i32
    %eq3A_49 = vector.broadcast %eq3A_48 : i32 to vector<400x128xi32>
    %eq3A_50 = arith.cmpi eq, %select_n3A, %eq3A_49 : vector<400x128xi32>
    %slice3A_51 = vector.extract_strided_slice %slice3A_32 {offsets = [0, 3], sizes = [400, 1], strides = [1, 1]} : vector<400x4xf32> to vector<400x1xf32>
    %broadcast_in_dim3A_52 = vector.shape_cast %slice3A_51 : vector<400x1xf32> to vector<400x1xf32>
    %broadcast_in_dim3A_53 = vector.broadcast %broadcast_in_dim3A_52 : vector<400x1xf32> to vector<400x128xf32>
    %select_n3A_54 = arith.select %eq3A_50, %broadcast_in_dim3A_53, %select_n3A_47 : vector<400x128xi1>, vector<400x128xf32>
    %add3A = arith.constant 9.99999996E-13 : f32
    %add3A_55 = vector.broadcast %add3A : f32 to vector<400x128xf32>
    %add3A_56 = arith.addf %select_n3A_54, %add3A_55 : vector<400x128xf32>
    %div3A_57 = arith.divf %slice3A, %add3A_56 : vector<400x128xf32>
    %slice3A_58 = vector.extract_strided_slice %get3A_31 {offsets = [0, 0], sizes = [400, 128], strides = [1, 1]} : vector<400x144xf32> to vector<400x128xf32>
    %slice3A_59 = vector.extract_strided_slice %get3A_31 {offsets = [0, 128], sizes = [400, 4], strides = [1, 1]} : vector<400x144xf32> to vector<400x4xf32>
    %slice3A_60 = vector.extract_strided_slice %slice3A_59 {offsets = [0, 0], sizes = [400, 1], strides = [1, 1]} : vector<400x4xf32> to vector<400x1xf32>
    %broadcast_in_dim3A_61 = vector.shape_cast %slice3A_60 : vector<400x1xf32> to vector<400x1xf32>
    %broadcast_in_dim3A_62 = vector.broadcast %broadcast_in_dim3A_61 : vector<400x1xf32> to vector<400x128xf32>
    %eq3A_63 = arith.constant 1 : i32
    %eq3A_64 = vector.broadcast %eq3A_63 : i32 to vector<400x128xi32>
    %eq3A_65 = arith.cmpi eq, %select_n3A, %eq3A_64 : vector<400x128xi32>
    %slice3A_66 = vector.extract_strided_slice %slice3A_59 {offsets = [0, 1], sizes = [400, 1], strides = [1, 1]} : vector<400x4xf32> to vector<400x1xf32>
    %broadcast_in_dim3A_67 = vector.shape_cast %slice3A_66 : vector<400x1xf32> to vector<400x1xf32>
    %broadcast_in_dim3A_68 = vector.broadcast %broadcast_in_dim3A_67 : vector<400x1xf32> to vector<400x128xf32>
    %select_n3A_69 = arith.select %eq3A_65, %broadcast_in_dim3A_68, %broadcast_in_dim3A_62 : vector<400x128xi1>, vector<400x128xf32>
    %eq3A_70 = arith.constant 2 : i32
    %eq3A_71 = vector.broadcast %eq3A_70 : i32 to vector<400x128xi32>
    %eq3A_72 = arith.cmpi eq, %select_n3A, %eq3A_71 : vector<400x128xi32>
    %slice3A_73 = vector.extract_strided_slice %slice3A_59 {offsets = [0, 2], sizes = [400, 1], strides = [1, 1]} : vector<400x4xf32> to vector<400x1xf32>
    %broadcast_in_dim3A_74 = vector.shape_cast %slice3A_73 : vector<400x1xf32> to vector<400x1xf32>
    %broadcast_in_dim3A_75 = vector.broadcast %broadcast_in_dim3A_74 : vector<400x1xf32> to vector<400x128xf32>
    %select_n3A_76 = arith.select %eq3A_72, %broadcast_in_dim3A_75, %select_n3A_69 : vector<400x128xi1>, vector<400x128xf32>
    %eq3A_77 = arith.constant 3 : i32
    %eq3A_78 = vector.broadcast %eq3A_77 : i32 to vector<400x128xi32>
    %eq3A_79 = arith.cmpi eq, %select_n3A, %eq3A_78 : vector<400x128xi32>
    %slice3A_80 = vector.extract_strided_slice %slice3A_59 {offsets = [0, 3], sizes = [400, 1], strides = [1, 1]} : vector<400x4xf32> to vector<400x1xf32>
    %broadcast_in_dim3A_81 = vector.shape_cast %slice3A_80 : vector<400x1xf32> to vector<400x1xf32>
    %broadcast_in_dim3A_82 = vector.broadcast %broadcast_in_dim3A_81 : vector<400x1xf32> to vector<400x128xf32>
    %select_n3A_83 = arith.select %eq3A_79, %broadcast_in_dim3A_82, %select_n3A_76 : vector<400x128xi1>, vector<400x128xf32>
    %add3A_84 = arith.constant 9.99999996E-13 : f32
    %add3A_85 = vector.broadcast %add3A_84 : f32 to vector<400x128xf32>
    %add3A_86 = arith.addf %select_n3A_83, %add3A_85 : vector<400x128xf32>
    %div3A_87 = arith.divf %slice3A_58, %add3A_86 : vector<400x128xf32>
    %concatenate3A = tpu.concatenate %div3A_57, %div3A_87 in 1 : vector<400x128xf32>, vector<400x128xf32> -> vector<400x256xf32>
    %get3A_88 = arith.constant 0 : index
    %get3A_89 = arith.constant 0 : index
    %get3A_90 = vector.load %arg2[%get3A_88, %get3A_89] : memref<400x256xf32, #tpu.memory_space<vmem>>, vector<400x256xf32>
    %mul3A = arith.mulf %concatenate3A, %get3A_90 : vector<400x256xf32>
    %get3A_91 = arith.constant 0 : index
    %get3A_92 = arith.constant 0 : index
    %get3A_93 = vector.load %arg3[%get3A_91, %get3A_92] : memref<256x256xf32, #tpu.memory_space<vmem>>, vector<256x256xf32>
    %dot_general3A = arith.constant dense<0.000000e+00> : vector<400x256xf32>
    %dot_general3A_94 = tpu.matmul %mul3A, %get3A_93, %dot_general3A {dimension_numbers = #tpu.dot_dimension_numbers<[1], [0], [0], [1], [0, 0, 1, 1], [], []>, transpose_lhs_hint = false} : vector<400x256xf32>, vector<256x256xf32>, vector<400x256xf32> -> vector<400x256xf32>
    %swap3A = arith.constant 0 : index
    %swap3A_95 = arith.constant 0 : index
    %swap3A_96 = vector.load %arg4[%swap3A, %swap3A_95] : memref<400x256xf32, #tpu.memory_space<vmem>>, vector<400x256xf32>
    tpu.vector_store %arg4[%swap3A, %swap3A_95], %dot_general3A_94 {strides = array<i32>} : memref<400x256xf32, #tpu.memory_space<vmem>>, vector<400x256xf32>,
    return
  }
  func.func @transform_0(%arg0: i32) -> (i32, i32, i32) {
    %c0_i32 = arith.constant 0 : i32
    %c0_i32_0 = arith.constant 0 : i32
    %c0_i32_1 = arith.constant 0 : i32
    return %c0_i32, %arg0, %c0_i32_0 : i32, i32, i32
  }
  func.func @transform_1(%arg0: i32) -> (i32, i32) {
    %c0_i32 = arith.constant 0 : i32
    %c0_i32_0 = arith.constant 0 : i32
    return %arg0, %c0_i32 : i32, i32
  }
  func.func @transform_2(%arg0: i32) -> (i32, i32) {
    %c0_i32 = arith.constant 0 : i32
    %c0_i32_0 = arith.constant 0 : i32
    %c0_i32_1 = arith.constant 0 : i32
    return %c0_i32, %c0_i32_0 : i32, i32
  }
  func.func @transform_3(%arg0: i32) -> (i32, i32) {
    %c0_i32 = arith.constant 0 : i32
    %c0_i32_0 = arith.constant 0 : i32
    return %arg0, %c0_i32 : i32, i32
  }
}

</mosaic_0001>

<sc_bundles>
// kernel: kernel.5.cloned.1.call-start
scs
__scs_entry_jumppad:
0x0: {  	(pc) =	sbr.rel $0x88, $3  }
0x1: {  	(tag) =	ssettag $0x0;
	lr =	simm.s32 $0x1  }
0x2: {  	[smem:$0x3F9A] =	sst lr;
	_ =	strace $0xD0000000  }
0x3: {  	_ = 	snop  }
0x4: {  	_ = 	snop  }
0x5: {  	_ = 	snop  }
0x6: {  	_ = 	snop  }
0x7: {  	_ = 	snop  }
__scs_overlays_trampoline_lowered:
0x8: {  	[smem:$0x3FA9] =	sst s0  }
0x9: {  	[smem:$0x3FAA] =	sst s1  }
0xa: {  	[smem:$0x3FAB] =	sst s2  }
0xb: {  	[smem:$0x3FAC] =	sst s3  }
0xc: {  	[smem:$0x3FAD] =	sst s4  }
0xd: {  	[smem:$0x3FAE] =	sst s5  }
0xe: {  	[smem:$0x3FAF] =	sst s6  }
0xf: {  	[smem:$0x3FB0] =	sst s7  }
0x10: {  	[smem:$0x3FB1] =	sst s8  }
0x11: {  	[smem:$0x3FB2] =	sst s9;
	s0 =	simm.s32 @!p0 $0x0  }
0x12: {  	s1 =	sld [smem:$0x3F98];
	s0 =	simm.s32 @p0 $0x1  }
0x13: {  	[smem:$0x3FB3] =	sst s0;
	s0 =	simm.s32 @!p1 $0x0  }
0x14: {  	s2 =	sld [smem:$0x3F97];
	s0 =	simm.s32 @p1 $0x1  }
0x15: {  	[smem:$0x3FB4] =	sst s0;
	s0 =	simm.s32 @!p2 $0x0  }
0x16: {  	s3 =	sld [smem:$0x3FDB];
	s0 =	simm.s32 @p2 $0x1  }
0x17: {  	s4 =	simm.s32 $0x1BF5;
	[smem:$0x3FB6] =	sst s0  }
0x18: {  	s0 =	sld [smem:$0x3F99];
	_ =	swait.ge [sflag:s4], $0x0  }
0x19: {  	s7 =	sld [smem:$0x3F9A]  }
0x1a: {  	s8 =	sadd.s32 $0xFFFFE003, lr  }
0x1b: {  	s9 =	sadd.s32 $0xFFFFFEF7, lr;
	s5 =	simm.s32 $0xFFFFFFFF;
	p2 =	slt.u32 s8, $0xFFFFF086  }
0x1c: {  	p1 =	slt.u32 s9, $0xF7A;
	s5 =	simm.s32 @!p2 $0x0  }
0x1d: {  	s5 =	simm.s32 @p1 $0x1;
	p0 =	seq.s32 s7, s2  }
0x1e: {  	s7 =	smul.u32 @!p0 $0xF7A, s2;
	p2 =	seq.s32 @!p0 s5, $0x0  }
0x1f: {  	s9 =	smul.u32 $0xF7A, s1;
	s8 =	simm.s32 @!p0 $0x1BF5;
	p2 =	por !p2, p0  }
0x20: {  	[sflag:s8] =	ssyncset.s32 @!p0 $0xFFFFF086;
	s6 =	sadd.s32 @!p0 s3, s7;
	s7 =	simm.s32 @!p0 $0x108  }
0x21: {  	s3 =	sadd.s32 s3, s9;
	s6 =	sadd.s32 @!p0 $0x88, s6;
	s7 =	simm.s32 @p2 $0x1082  }
0x22: {  	[simem:s7], [sflag:s8] =	dma.local @!p0 [hbm:s6], $0xF7A  }
0x23: {  	s9 =	sor.u32 $0xD0000000, s2;
	s6 =	simm.s32 $0x108;
	_ =	swait.ge @!p0 [sflag:s8], $0x0  }
0x24: {  	s3 =	sadd.s32 $0x88, s3;
	s6 =	simm.s32 @!p1 $0x1082;
	[sflag:s4] =	ssyncset.s32 $0xFFFFF086  }
0x25: {  	[simem:s6], [sflag:s4] =	dma.local [hbm:s3], $0xF7A  }
0x26: {  	[smem:$0x3F9A] =	sst s1;
	(tag) =	ssettag s2;
	_ =	strace s9  }
0x27: {  	s1 =	sld [smem:$0x3FAA]  }
0x28: {  	s2 =	sld [smem:$0x3FAB]  }
0x29: {  	s4 =	sld [smem:$0x3FAD]  }
0x2a: {  	p0 =	seq.s32 s5, $0x0;
	s5 =	sld [smem:$0x3FAE]  }
0x2b: {  	s6 =	sld [smem:$0x3FAF]  }
0x2c: {  	s7 =	sld [smem:$0x3FB0]  }
0x2d: {  	s3 =	simm.s32 $0x108;
	s8 =	sld [smem:$0x3FB1]  }
0x2e: {  	s3 =	simm.s32 @!p0 $0x1082;
	s9 =	sld [smem:$0x3FB2]  }
0x2f: {  	lr =	sadd.s32 s0, s3;
	s0 =	sld [smem:$0x3FA9]  }
0x30: {  	s3 =	sld [smem:$0x3FAC]  }
0x31: {  	[smem:$0x3FB5] =	sst s10  }
0x32: {  	s10 =	sld [smem:$0x3FB3];
	_ =	sdelay $0x3  }
0x33: {  	p0 =	seq.s32 s10, $0x1;
	s10 =	sld [smem:$0x3FB5];
	_ =	sdelay $0x3  }
0x34: {  	[smem:$0x3FB5] =	sst s10  }
0x35: {  	s10 =	sld [smem:$0x3FB4];
	_ =	sdelay $0x3  }
0x36: {  	p1 =	seq.s32 s10, $0x1;
	s10 =	sld [smem:$0x3FB5];
	_ =	sdelay $0x3  }
0x37: {  	[smem:$0x3FB5] =	sst s10  }
0x38: {  	s10 =	sld [smem:$0x3FB6]  }
0x39: {  	_ = 	snop;
	(pc) =	sbr.ind lr, $3  }
0x3a: {  	_ = 	snop  }
0x3b: {  	_ = 	snop  }
0x3c: {  	p2 =	seq.s32 s10, $0x1;
	s10 =	sld [smem:$0x3FB5]  }
0x3d: {  	_ =	shalt  }
0x3e: {  	_ =	shalt  }
0x3f: {  	_ =	shalt  }
0x40: {  	_ =	shalt  }
0x41: {  	_ =	shalt  }
0x42: {  	_ =	shalt  }
0x43: {  	_ =	shalt  }
0x44: {  	_ =	shalt  }
0x45: {  	_ =	shalt  }
0x46: {  	_ =	shalt  }
0x47: {  	_ =	shalt  }
0x48: {  	_ =	shalt  }
0x49: {  	_ =	shalt  }
0x4a: {  	_ =	shalt  }
0x4b: {  	_ =	shalt  }
0x4c: {  	_ =	shalt  }
0x4d: {  	_ =	shalt  }
0x4e: {  	_ =	shalt  }
0x4f: {  	_ =	shalt  }
0x50: {  	_ =	shalt  }
0x51: {  	_ =	shalt  }
0x52: {  	_ =	shalt  }
0x53: {  	_ =	shalt  }
0x54: {  	_ =	shalt  }
0x55: {  	_ =	shalt  }
0x56: {  	_ =	shalt  }
0x57: {  	_ =	shalt  }
0x58: {  	_ =	shalt  }
0x59: {  	_ =	shalt  }
0x5a: {  	_ =	shalt  }
0x5b: {  	_ =	shalt  }
0x5c: {  	_ =	shalt  }
0x5d: {  	_ =	shalt  }
0x5e: {  	_ =	shalt  }
0x5f: {  	_ =	shalt  }
0x60: {  	_ =	shalt  }
0x61: {  	_ =	shalt  }
0x62: {  	_ =	shalt  }
0x63: {  	_ =	shalt  }
0x64: {  	_ =	shalt  }
0x65: {  	_ =	shalt  }
0x66: {  	_ =	shalt  }
0x67: {  	_ =	shalt  }
0x68: {  	_ =	shalt  }
0x69: {  	_ =	shalt  }
0x6a: {  	_ =	shalt  }
0x6b: {  	_ =	shalt  }
0x6c: {  	_ =	shalt  }
0x6d: {  	_ =	shalt  }
0x6e: {  	_ =	shalt  }
0x6f: {  	_ =	shalt  }
0x70: {  	_ =	shalt  }
0x71: {  	_ =	shalt  }
0x72: {  	_ =	shalt  }
0x73: {  	_ =	shalt  }
0x74: {  	_ =	shalt  }
0x75: {  	_ =	shalt  }
0x76: {  	_ =	shalt  }
0x77: {  	_ =	shalt  }
0x78: {  	_ =	shalt  }
0x79: {  	_ =	shalt  }
0x7a: {  	_ =	shalt  }
0x7b: {  	_ =	shalt  }
0x7c: {  	_ =	shalt  }
0x7d: {  	_ =	shalt  }
0x7e: {  	_ =	shalt  }
0x7f: {  	_ =	shalt  }
0x80: {  	_ =	shalt  }
0x81: {  	_ =	shalt  }
0x82: {  	_ =	shalt  }
0x83: {  	_ =	shalt  }
0x84: {  	_ =	shalt  }
0x85: {  	_ =	shalt  }
0x86: {  	_ =	shalt  }
0x87: {  	_ =	shalt  }
.Lfunc_end0:
.L_simem_size_0:
called_computation_lowered:
.L_overlay_start_0:
0x88: {  	s2 =	sld [smem:$0x3FD9]  }
0x89: {  	s3 =	sld [smem:$0x3FFE];
	_ =	sdelay $0x1  }
0x8a: {  	s1 =	srdreg.scid  }
0x8b: {  	s0 =	sand.u32 $0x1, s1  }
0x8c: {  	s17 =	sshll.u32 s0, $0xA;
	s2 =	sadd.s32 s3, s2  }
0x8d: {  	s2 =	sadd.s32 s2, s17  }
0x8e: {  	[smem:$0x3FC1] =	sst s2  }
0x8f: {  	_ = 	snop  }
0x90: {  	s2 =	sld [smem:$0x3FD0];
	(tm) =	ssettm $0x1  }
0x91: {  	s18 =	sld [smem:$0x3FFB];
	_ =	sdelay $0x3  }
0x92: {  	_ =	strace s18  }
0x93: {  	s3 =	sld [smem:$0x3FFC];
	_ =	sdelay $0x3  }
0x94: {  	_ =	strace s3  }
0x95: {  	s3 =	sld [smem:$0x3FFD];
	_ =	sdelay $0x3  }
0x96: {  	_ =	strace s3  }
0x97: {  	_ =	strace $0x8FFFFFFF  }
0x98: {  	s19 =	sld [smem:$0x3FDB];
	_ =	sdelay $0x1  }
0x99: {  	s4 =	simm.s32 $_scs_section_size  }
0x9a: {  	s5 =	simm.s32 $_size__tile_overlayer_lowered;
	s6 =	simm.s32 $_tile_overlayer_lowered  }
0x9b: {  	s22 =	simm.s32 $0x1BFF;
	s21 =	sshll.u32 s6, $0x1;
	s3 =	sadd.s32 s4, s19  }
0x9c: {  	s7 =	simm.s32 $0x0;
	s20 =	sshll.u32 s5, $0x1;
	s5 =	sadd.s32 s21, s3  }
0x9d: {  	[timem:s7], [sflag:s22] =	dma.local [hbm:s5], s20  }
0x9e: {  	_ =	swait.ge [sflag:s22], s20  }
0x9f: {  	s4 =	ssub.s32 $0x0, s20;
	[sflag:s22] =	ssyncset.done $0x0  }
0xa0: {  	[sflag:s22] =	ssyncadd.s32 s4;
	_ =	sdelay $0x1  }
0xa1: {  	s23 =	simm.s32 $0x1B8B  }
0xa2: {  	_ =	swait.ge [sflag:s23], $0x1  }
0xa3: {  	[sflag:s23] =	ssyncset.done $0x0  }
0xa4: {  	s25 =	simm.s32 $0x1B8E;
	s24 =	sld [smem:$0x3FFE];
	[sflag:s23] =	ssyncadd.s32 $0xFFFFFFFF  }
0xa5: {  	s26 =	simm.s32 $execute0_lowered;
	[smem:$0x3FD2] =	sst s25  }
0xa6: {  	s5 =	sshll.u32 s26, $0x1;
	_ =	strace $0x80000046;
	[dreg:$0x1] =	wrdreg $0xFFFFFFFF  }
0xa7: {  	s28 =	simm.s32 $_size_execute0_lowered;
	s3 =	sadd.s32 s3, s5;
	[dreg:$0x0] =	wrdreg $0x0  }
0xa8: {  	s5 =	sshll.u32 s28, $0x1;
	[dreg:$0x2] =	wrdreg s3  }
0xa9: {  	[dreg:$0x3] =	wrdreg s5  }
0xaa: {  	[dreg:$0x4] =	wrdreg $0xC0  }
0xab: {  	_ =	task [dreg:s7], $0x5FFFF  }
0xac: {  	[dreg:$0x1] =	wrdreg $0xFFFFFFFF  }
0xad: {  	[dreg:$0x0] =	wrdreg $0x60  }
0xae: {  	[dreg:$0x2] =	wrdreg s24  }
0xaf: {  	[dreg:$0x3] =	wrdreg s2  }
0xb0: {  	[dreg:$0x4] =	wrdreg $0x86000  }
0xb1: {  	[dreg:$0x5] =	wrdreg $0x9  }
0xb2: {  	_ =	task.clear_ibuf [dreg:s7], $0x6FFFF;
	_ =	strace $0x90000046  }
0xb3: {  	s29 =	simm.s32 $0x9;
	_ =	strace $0x80000048  }
0xb4: {  	_ =	swait.ge [sflag:s29], $0x1  }
0xb5: {  	[sflag:s29] =	ssyncadd.s32 $0xFFFFFFFF  }
0xb6: {  	_ =	strace $0x90000048  }
0xb7: {  	_ =	sfence  }
0xb8: {  	s30 =	sld [smem:$0x0];
	_ =	sdelay $0x2  }
0xb9: {  	s31 =	sshll.u32 s1, $0xD;
	s1 =	sshrl.u32 s1, $0x2  }
0xba: {  	s3 =	sand.u32 $0x4000, s31;
	s1 =	sadd.s32 s1, s30  }
0xbb: {  	s0 =	sor.u32 s3, s0;
	s1 =	sshll.u32 s1, $0x11  }
0xbc: {  	s0 =	sor.u32 s1, s0  }
0xbd: {  	s0 =	sadd.s32 $0x8F2B, s0  }
0xbe: {  	[sflag:s0] =	ssyncadd.remote.s32 $0x1  }
0xbf: {  	_ =	sfence.sel $0xFFFF  }
0xc0: {  	[dreg:$0x0] =	wrdreg $0xFFFFFFFF;
	(pc) =	sbr.abs _section_cstart, $3  }
0xc1: {  	[dreg:$0x1] =	wrdreg $0xFFFFFFFF  }
0xc2: {  	_ =	task.clear_ibuf [dreg:s7], $0x2FFFF;
	_ =	strace $0x9FFFFFFF  }
0xc3: {  	(tm) =	ssettm $0x7FFFFFFF  }
tec
execute0_lowered:
.L_overlay_start_1:
0x0: {  	(tag) =	ssettag $0x1  }
0x1: {  	s1 =	rddreg [dreg:$0x0]  }
0x2: {  	s0 =	srdreg.scid;
	s6 =	rddreg [dreg:$0x1]  }
0x3: {  	s11 =	stileid.u32;
	s2 =	rddreg [dreg:$0x2]  }
0x4: {  	s5 =	simm.s32 $0x0;
	s15 =	simm.s32 $0x7;
	s16 =	simm.s32 $0x3  }
0x5: {  	s17 =	simm.s32 $0x60;
	s18 =	simm.s32 $0xC0;
	s19 =	simm.s32 $0x180  }
0x6: {  	s20 =	simm.s32 $0x4;
	s21 =	simm.s32 $0x120;
	s28 =	simm.s32 $0x2  }
0x7: {  	s29 =	simm.s32 $0x6;
	s30 =	simm.s32 $0x7380;
	s4 =	smul.u32 $0x271, s11  }
0x8: {  	s31 =	simm.s32 $0x85A0;
	s0 =	sand.u32 $0x1, s0;
	s8 =	smul.u32 $0x15F90, s11  }
0x9: {  	[smem:$0x7FF] =	sst s5;
	s5 =	sadd.s32 $0x1E00, s1;
	s10 =	smul.u32 $0xF00, s11  }
0xa: {  	s24 =	sshll.u32 s11, $0x6;
	s3 =	smul.u32 $0x2710, s0;
	s0 =	ssub.s32 $0x2, s0  }
0xb: {  	s25 =	smul.u32 $0x140, s11;
	_ =	strace $0x80000047;
	s9 =	sshrl.u32 s0, $0x1  }
0xc: {  	s22 =	sadd.s32 s8, s2;
	s23 =	sshrl.u32 s8, $0x3;
	s26 =	sadd.s32 s5, s10  }
0xd: {  	s10 =	sor.u32 $0x2, s25;
	s11 =	sor.u32 $0x3, s25;
	s25 =	simm.s32 $0x20  }
0xe: {  	s4 =	sadd.s32 s4, s3;
	s0 =	ssub.s32 s0, s9;
	s6 =	sadd.s32 s6, s23  }
0xf: {  	s12 =	sadd.s32 $0x4E20, s3;
	s13 =	sadd.s32 $0x9C40, s3;
	[dreg:$0x5] =	wrdreg s26  }
0x10: {  	s8 =	sadd.s32 $0xC, s26;
	s14 =	sshrl.u32 s22, $0x3;
	s7 =	smul.u32 $0x12, s4  }
.Ltmp0:
0x11: {  	v0 =	vlaneseq.u32;
	s22 =	simm.s32 $0x3180;
	s23 =	simm.s32 $0x1;
	(pc) =	sbr.rel .LBB2_1-.Ltmp0, $4  }
0x12: {  	v5 =	vmul.u32 $0x80, v0;
	s26 =	simm.s32 $0x8580;
	s4 =	sadd.s32 $0x10E00, s1;
	[dreg:$0x4] =	wrdreg s6  }
0x13: {  	[dreg:$0x6] =	wrdreg s8;
	s0 =	smax.u32 s0, $0x1;
	s1 =	sadd.s32 s7, s1  }
0x14: {  	v4 =	vor.u32 $0x1000, v5;
	v5 =	vor.u32 $0x2000, v5;
	[dreg:$0x8] =	wrdreg s0;
	s0 =	simm.s32 $0x0;
	s1 =	sadd.s32 $0xFB400, s1  }
0x15: {  	v1 =	vmov s3;
	v2 =	vmov s12;
	v3 =	vmov s13;
	s7 =	sor.u32 $0x1C07, s24;
	s24 =	simm.s32 $0x6180;
	[dreg:$0x7] =	wrdreg s1  }
.LBB2_20:
0x16: {  	s1 =	simm.s32 $0x5  }
0x17: {  	_ =	swait.ge [sflag:s1], $0x1200  }
0x18: {  	[sflag:s1] =	ssyncset.done $0x0  }
0x19: {  	[sflag:s1] =	ssyncadd.s32 $0xFFFFEE00  }
0x1a: {  	_ =	swait.ge [sflag:s29], $0x1200  }
0x1b: {  	[sflag:s29] =	ssyncset.done $0x0  }
0x1c: {  	[sflag:s29] =	ssyncadd.s32 $0xFFFFEE00  }
0x1d: {  	[bflag:$0x0] =	sbarrier.arrive $0xFFFF  }
0x1e: {  	s12 =	rddreg [dreg:$0x7]  }
0x1f: {  	[hbm:s12], [sflag:s7] =	dma.local [spmem:s14], $0x2BF2  }
0x20: {  	_ =	swait.ge [sflag:s15], $0x2BF2  }
0x21: {  	s0 =	sadd.s32 $0x1, s0;
	s13 =	rddreg [dreg:$0x8]  }
0x22: {  	p0 =	sne.s32 s0, s13  }
.Ltmp1:
0x23: {  	_ = 	snop;
	(pc) =	sbr.rel @!p0 .LBB2_21-.Ltmp1, $3  }
0x24: {  	_ =	sdelay $0x1  }
0x25: {  	[sflag:s15] =	ssyncset.done $0x0  }
0x26: {  	[sflag:s15] =	ssyncadd.s32 $0xFFFFD40E  }
.LBB2_1:
0x27: {  	s1 =	rddreg [dreg:$0x4]  }
0x28: {  	[spmem:s14], [sflag:s7] =	dma.local [hbm:s1], $0x2BF2  }
0x29: {  	_ =	swait.ge [sflag:s15], $0x2BF2  }
0x2a: {  	[sflag:s15] =	ssyncset.done $0x0  }
0x2b: {  	[sflag:s15] =	ssyncadd.s32 $0xFFFFD40E  }
0x2c: {  	[bflag:$0x0] =	sbarrier.arrive $0xFFFF  }
0x2d: {  	s12 =	simm.s32 $0x0;
	s3 =	rddreg [dreg:$0x5]  }
0x2e: {  	[tilespmem:s12], [sflag:$0x3] =	stream.linear.gather [hbm4b:s3+s12], $0x60, $0x38;
	[tilespmem:$0x1E590] =	vst v63  }
0x2f: {  	_ =	swait.ge [sflag:s16], $0x60  }
0x30: {  	[sflag:s16] =	ssyncset.done $0x0  }
0x31: {  	[sflag:s16] =	ssyncadd.s32 $0xFFFFFFA0  }
0x32: {  	v6 =	vld [tilespmem:$0x0]  }
0x33: {  	v7 =	vld [tilespmem:$0x20];
	_ =	sdelay $0x1  }
0x34: {  	v8 =	vld [tilespmem:$0x10]  }
0x35: {  	v9 =	vld [tilespmem:$0x30]  }
0x36: {  	v6 =	vadd.s32 v1, v6  }
0x37: {  	[tilespmem:$0xC0] =	vst v6;
	v6 =	vadd.s32 v2, v7  }
0x38: {  	[tilespmem:$0xE0] =	vst v6;
	v6 =	vadd.s32 v3, v7  }
0x39: {  	[tilespmem:$0x100] =	vst v6;
	v6 =	vadd.s32 v1, v8  }
0x3a: {  	[tilespmem:$0xD0] =	vst v6;
	v6 =	vadd.s32 v2, v9  }
0x3b: {  	[tilespmem:$0xF0] =	vst v6;
	v6 =	vadd.s32 v3, v9  }
0x3c: {  	[tilespmem:$0x110] =	vst v6  }
0x3d: {  	[tilespmem:s19], [sflag:$0x1] =	stream.indirect.gather [hbm4b:s4+s17], $0x80, s18, s17, $0xb8;
	[tilespmem:$0x1E590] =	vst v63  }
0x3e: {  	s13 =	rddreg [dreg:$0x6]  }
0x3f: {  	[tilespmem:s17], [sflag:$0x4] =	stream.linear.gather [hbm4b:s13+s12], $0x60, $0x38;
	[tilespmem:$0x1E590] =	vst v63  }
0x40: {  	_ =	swait.ge [sflag:s20], $0x60  }
0x41: {  	[sflag:s20] =	ssyncset.done $0x0  }
0x42: {  	[sflag:s20] =	ssyncadd.s32 $0xFFFFFFA0  }
0x43: {  	v6 =	vld [tilespmem:$0x60]  }
0x44: {  	v7 =	vld [tilespmem:$0x80];
	_ =	sdelay $0x1  }
0x45: {  	v62 =	vld [tilespmem:$0x70]  }
0x46: {  	v63 =	vld [tilespmem:$0x90]  }
0x47: {  	v6 =	vadd.s32 v1, v6  }
0x48: {  	[tilespmem:$0x120] =	vst v6;
	v6 =	vadd.s32 v2, v7  }
0x49: {  	[tilespmem:$0x140] =	vst v6;
	v6 =	vadd.s32 v3, v7  }
0x4a: {  	[tilespmem:$0x160] =	vst v6;
	v6 =	vadd.s32 v1, v62  }
0x4b: {  	[tilespmem:$0x130] =	vst v6;
	v6 =	vadd.s32 v2, v63  }
0x4c: {  	[tilespmem:$0x150] =	vst v6;
	v6 =	vadd.s32 v3, v63  }
0x4d: {  	s3 =	simm.s32 $0x0;
	[tilespmem:$0x170] =	vst v6  }
0x4e: {  	[tilespmem:s22], [sflag:$0x2] =	stream.indirect.gather [hbm4b:s4+s17], $0x80, s21, s17, $0xb8;
	[tilespmem:$0x1E590] =	vst v63  }
.LBB2_2:
0x4f: {  	_ =	swait.ge [sflag:s23], $0x3000  }
0x50: {  	p1 =	seq.s32 s3, $0x0;
	[sflag:s23] =	ssyncset.done $0x0  }
0x51: {  	s6 =	simm.s32 @!p1 $0x5;
	[sflag:s23] =	ssyncadd.s32 $0xFFFFD000  }
0x52: {  	_ =	swait.ge @!p1 [sflag:s6], $0x1200  }
0x53: {  	[sflag:s6] =	ssyncset.done @!p1 $0x0  }
0x54: {  	[sflag:s6] =	ssyncadd.s32 @!p1 $0xFFFFEE00  }
0x55: {  	v6 =	vld [tilespmem:$0x0]  }
0x56: {  	v7 =	vld [tilespmem:$0x40]  }
0x57: {  	v8 =	vld [tilespmem:$0x10]  }
0x58: {  	v9 =	vld [tilespmem:$0x50]  }
0x59: {  	p0 =	seq.s32 s3, $0x9F;
	s6 =	sshll.u32 s3, $0x1  }
0x5a: {  	s9 =	sadd.s32 @!p0 s6, s10;
	[tilespmem:$0x8580] =	vst v6  }
0x5b: {  	s9 =	smul.u32 @!p0 $0xC, s9;
	[tilespmem:$0x85C0] =	vst v7  }
0x5c: {  	[tilespmem:$0x8590] =	vst v8  }
0x5d: {  	s12 =	simm.s32 @!p0 $0x0;
	s9 =	sadd.s32 @!p0 s5, s9;
	[tilespmem:$0x85D0] =	vst v9  }
0x5e: {  	[tilespmem:s12], [sflag:$0x3] =	stream.linear.gather @!p0 [hbm4b:s9+s12], $0x60, $0x38;
	[tilespmem:$0x1E590] =	vst v63  }
0x5f: {  	p3 =	por $0x1, $0x1;
	s9 =	simm.s32 $0x0;
	s12 =	simm.s32 $0x0  }
.LBB2_3:
0x60: {  	v7 =	vmov s12;
	v6 =	vor.u32 s12, v0;
	v11 =	vadd.s32 s9, v0  }
0x61: {  	v9 =	vshll.u32 v7, $0x7;
	v8 =	vshll.u32 v6, $0x7;
	v7 =	vand.u32 $0x7, v11  }
0x62: {  	v11 =	vand.u32 $0x18, v11;
	v12 =	vor.u32 v8, v7  }
0x63: {  	v10 =	vor.u32 v4, v9;
	v17 =	vor.u32 $0x40, v11;
	v13 =	vor.u32 v11, v12  }
0x64: {  	v14 =	vor.u32 v10, v7;
	v19 =	vor.u32 v17, v12  }
0x65: {  	v7 =	vor.u32 $0x20, v11;
	v15 =	vor.u32 v11, v14  }
0x66: {  	v16 =	vor.u32 v7, v12  }
0x67: {  	s1 =	simm.s32 $0x1;
	v18 =	vor.u32 v7, v14;
	v7 =	vld [tilespmem:s12+$0x85C0];
	v11 =	vor.u32 $0x60, v11  }
0x68: {  	v20 =	vadd.s32 s1, v0;
	v12 =	vor.u32 v11, v12;
	v23 =	vld.idx.msk [tilespmem:v13+s19+$0x0], $0xffff  }
0x69: {  	v13 =	vor.u32 v17, v14;
	v17 =	vand.u32 $0x7, v20;
	v27 =	vld.idx.msk [tilespmem:v19+s19+$0x0], $0xffff  }
0x6a: {  	v11 =	vor.u32 v11, v14;
	v20 =	vand.u32 $0x18, v20;
	v15 =	vld.idx.msk [tilespmem:v15+s19+$0x0], $0xffff;
	v21 =	vor.u32 v8, v17  }
0x6b: {  	v14 =	vld.idx.msk [tilespmem:v16+s19+$0x0], $0xffff;
	v16 =	vor.u32 v10, v17;
	v17 =	vor.u32 v20, v21  }
0x6c: {  	v18 =	vld.idx.msk [tilespmem:v18+s19+$0x0], $0xffff;
	v22 =	vor.u32 $0x20, v20;
	v24 =	vor.u32 v20, v16  }
0x6d: {  	v19 =	vor.u32 v22, v21;
	v29 =	vld.idx.msk [tilespmem:v12+s19+$0x0], $0xffff  }
0x6e: {  	v12 =	vor.u32 v22, v16;
	v28 =	vld.idx.msk [tilespmem:v13+s19+$0x0], $0xffff;
	v13 =	vor.u32 $0x40, v20  }
0x6f: {  	v31 =	vimm.f32 $0.0e+00;
	s8 =	simm.s32 $0x2;
	v30 =	vld.idx.msk [tilespmem:v11+s19+$0x0], $0xffff;
	v11 =	vor.u32 v13, v21  }
0x70: {  	s13 =	simm.s32 $0x3;
	v22 =	vadd.s32 s8, v0;
	v32 =	vld.idx.msk [tilespmem:v17+s19+$0x0], $0xffff;
	v17 =	vor.u32 v13, v16;
	v13 =	vor.u32 $0x60, v20  }
0x71: {  	v25 =	vadd.s32 s13, v0;
	v20 =	vand.u32 $0x7, v22;
	v33 =	vld.idx.msk [tilespmem:v24+s19+$0x0], $0xffff;
	v21 =	vor.u32 v13, v21  }
0x72: {  	v22 =	vand.u32 $0x18, v22;
	v34 =	vld.idx.msk [tilespmem:v19+s19+$0x0], $0xffff;
	v24 =	vor.u32 v8, v20;
	v19 =	vor.u32 v13, v16  }
0x73: {  	v18 =	vmul.f32 v18, v14;
	v36 =	vld.idx.msk [tilespmem:v12+s19+$0x0], $0xffff;
	v35 =	vor.u32 v10, v20;
	v26 =	vor.u32 v22, v24  }
0x74: {  	v13 =	vand.u32 $0x18, v25;
	v16 =	vor.u32 $0x20, v22;
	v12 =	vor.u32 v22, v35;
	v37 =	vld.idx.msk [tilespmem:v11+s19+$0x0], $0xffff  }
0x75: {  	v20 =	vand.u32 $0x7, v25;
	v25 =	vor.u32 $0x40, v22;
	v39 =	vor.u32 v16, v35;
	v38 =	vld.idx.msk [tilespmem:v17+s19+$0x0], $0xffff  }
0x76: {  	v63 =	vmul.f32 v15, v23;
	v45 =	vmul.f32 v30, v29;
	v41 =	vor.u32 v25, v24;
	v40 =	vld.idx.msk [tilespmem:v21+s19+$0x0], $0xffff  }
0x77: {  	v30 =	vadd.f32 v18, v31;
	v22 =	vor.u32 $0x60, v22;
	v43 =	vor.u32 v25, v35;
	v42 =	vld.idx.msk [tilespmem:v19+s19+$0x0], $0xffff  }
0x78: {  	v25 =	vor.u32 v22, v35;
	v44 =	vmul.f32 v28, v27;
	v11 =	vor.u32 v16, v24;
	v19 =	vld.idx.msk [tilespmem:v26+s19+$0x0], $0xffff  }
0x79: {  	v16 =	vor.u32 v10, v20;
	v17 =	vor.u32 v8, v20;
	v26 =	vor.u32 v22, v24;
	v12 =	vld.idx.msk [tilespmem:v12+s19+$0x0], $0xffff  }
0x7a: {  	v20 =	vor.u32 $0x40, v13;
	v23 =	vor.u32 v13, v16;
	v29 =	vmul.f32 v33, v32;
	v14 =	vld.idx.msk [tilespmem:v39+s19+$0x0], $0xffff  }
0x7b: {  	v27 =	vmul.f32 v36, v34;
	v33 =	vadd.f32 v63, v31;
	v22 =	vor.u32 v13, v17;
	v15 =	vld.idx.msk [tilespmem:v41+s19+$0x0], $0xffff  }
0x7c: {  	v32 =	vadd.f32 v44, v31;
	v31 =	vadd.f32 v45, v31;
	v21 =	vor.u32 $0x20, v13;
	v18 =	vld.idx.msk [tilespmem:v43+s19+$0x0], $0xffff  }
0x7d: {  	p2 =	por p3, p3;
	s12 =	simm.s32 $0x4;
	v24 =	vor.u32 v21, v17;
	v11 =	vld.idx.msk [tilespmem:v11+s19+$0x0], $0xffff;
	v28 =	vmul.f32 v38, v37;
	v34 =	vmul.f32 v42, v40  }
.LBB2_4:
0x7e: {  	p3 =	sne.s32 s12, $0x1E;
	v35 =	vld.idx.msk [tilespmem:v26+s19+$0x0], $0xffff;
	v21 =	vor.u32 v21, v16;
	v33 =	vadd.f32 v29, v33;
	v30 =	vadd.f32 v27, v30  }
0x7f: {  	v27 =	vld.idx.msk [tilespmem:v25+s19+$0x0], $0xffff;
	v25 =	vor.u32 v20, v17;
	v32 =	vadd.f32 v28, v32;
	v31 =	vadd.f32 v34, v31  }
0x80: {  	v26 =	vadd.s32 s12, v0;
	s13 =	sadd.s32 $0x1, s12;
	v13 =	vor.u32 $0x60, v13;
	v29 =	vmovc v19;
	v20 =	vor.u32 v20, v16;
	v28 =	vld.idx.msk [tilespmem:v22+s19+$0x0], $0xffff  }
0x81: {  	v19 =	vand.u32 $0x7, v26;
	v22 =	vadd.s32 s13, v0;
	v34 =	vld.idx.msk [tilespmem:v23+s19+$0x0], $0xffff;
	v23 =	vor.u32 v13, v17  }
0x82: {  	v17 =	vand.u32 $0x18, v26;
	v26 =	vor.u32 v8, v19;
	v36 =	vld.idx.msk [tilespmem:v24+s19+$0x0], $0xffff;
	v24 =	vor.u32 v13, v16  }
0x83: {  	v38 =	vor.u32 v10, v19;
	v37 =	vor.u32 v17, v26;
	v13 =	vand.u32 $0x18, v22;
	v39 =	vld.idx.msk [tilespmem:v21+s19+$0x0], $0xffff  }
0x84: {  	v19 =	vand.u32 $0x7, v22;
	v40 =	vor.u32 v17, v38;
	v16 =	vor.u32 $0x20, v17;
	v41 =	vld.idx.msk [tilespmem:v25+s19+$0x0], $0xffff  }
0x85: {  	v22 =	vor.u32 $0x40, v17;
	v42 =	vor.u32 v16, v26;
	v25 =	vor.u32 $0x60, v17;
	v43 =	vld.idx.msk [tilespmem:v20+s19+$0x0], $0xffff  }
0x86: {  	v44 =	vor.u32 v16, v38;
	v16 =	vor.u32 v10, v19;
	v17 =	vor.u32 v8, v19;
	v45 =	vld.idx.msk [tilespmem:v23+s19+$0x0], $0xffff  }
0x87: {  	v46 =	vor.u32 v22, v26;
	v21 =	vor.u32 $0x20, v13;
	v20 =	vor.u32 $0x40, v13;
	v47 =	vld.idx.msk [tilespmem:v24+s19+$0x0], $0xffff  }
0x88: {  	v26 =	vor.u32 v25, v26;
	v25 =	vor.u32 v25, v38;
	v19 =	vld.idx.msk [tilespmem:v37+s19+$0x0], $0xffff;
	v37 =	vor.u32 v22, v38  }
.Ltmp2:
0x89: {  	v22 =	vor.u32 v13, v17;
	v38 =	vmul.f32 v12, v29;
	v12 =	vld.idx.msk [tilespmem:v40+s19+$0x0], $0xffff;
	v40 =	vmul.f32 v14, v11;
	(pc) =	sbr.rel @p3 .LBB2_4-.Ltmp2, $4  }
0x8a: {  	v35 =	vmul.f32 v27, v35;
	v23 =	vor.u32 v13, v16;
	v11 =	vld.idx.msk [tilespmem:v42+s19+$0x0], $0xffff;
	v42 =	vmul.f32 v18, v15  }
0x8b: {  	v24 =	vor.u32 v21, v17;
	v29 =	vmul.f32 v34, v28;
	v27 =	vmul.f32 v39, v36;
	v14 =	vld.idx.msk [tilespmem:v44+s19+$0x0], $0xffff  }
0x8c: {  	v33 =	vadd.f32 v38, v33;
	v28 =	vmul.f32 v43, v41;
	v30 =	vadd.f32 v40, v30;
	v15 =	vld.idx.msk [tilespmem:v46+s19+$0x0], $0xffff  }
0x8d: {  	s12 =	sadd.s32 $0x2, s12;
	v31 =	vadd.f32 v35, v31;
	v32 =	vadd.f32 v42, v32;
	v34 =	vmul.f32 v47, v45;
	v18 =	vld.idx.msk [tilespmem:v37+s19+$0x0], $0xffff  }
0x8e: {  	_ =	sdelay $0x3  }
0x8f: {  	v8 =	vld.idx.msk [tilespmem:v26+s19+$0x0], $0xffff;
	v10 =	vor.u32 v21, v16  }
0x90: {  	v21 =	vld.idx.msk [tilespmem:v25+s19+$0x0], $0xffff;
	v61 =	vor.u32 v20, v17  }
0x91: {  	v22 =	vld.idx.msk [tilespmem:v22+s19+$0x0], $0xffff;
	v20 =	vor.u32 v20, v16;
	v13 =	vor.u32 $0x60, v13  }
0x92: {  	v23 =	vld.idx.msk [tilespmem:v23+s19+$0x0], $0xffff;
	v17 =	vor.u32 v13, v17  }
0x93: {  	v13 =	vor.u32 v13, v16;
	v16 =	vld.idx.msk [tilespmem:v24+s19+$0x0], $0xffff  }
0x94: {  	v10 =	vld.idx.msk [tilespmem:v10+s19+$0x0], $0xffff  }
0x95: {  	v62 =	vld.idx.msk [tilespmem:v61+s19+$0x0], $0xffff  }
0x96: {  	v63 =	vadd.f32 v29, v33;
	v12 =	vmul.f32 v12, v19;
	v20 =	vld.idx.msk [tilespmem:v20+s19+$0x0], $0xffff  }
0x97: {  	v17 =	vld.idx.msk [tilespmem:v17+s19+$0x0], $0xffff  }
0x98: {  	v12 =	vadd.f32 v12, v63;
	v13 =	vld.idx.msk [tilespmem:v13+s19+$0x0], $0xffff  }
0x99: {  	v11 =	vmul.f32 v14, v11;
	v19 =	vmul.f32 v23, v22;
	v22 =	vadd.f32 v27, v30  }
0x9a: {  	v14 =	vadd.f32 v34, v31;
	v15 =	vmul.f32 v18, v15;
	v23 =	vadd.f32 v28, v32  }
0x9b: {  	v8 =	vmul.f32 v21, v8;
	v11 =	vadd.f32 v11, v22;
	v10 =	vmul.f32 v10, v16  }
0x9c: {  	v12 =	vadd.f32 v19, v12;
	v15 =	vadd.f32 v15, v23;
	v16 =	vmul.f32 v20, v62  }
0x9d: {  	v8 =	vadd.f32 v8, v14;
	v13 =	vmul.f32 v13, v17;
	v10 =	vadd.f32 v10, v11  }
0x9e: {  	v12 =	vmul.f32 $1.767766920e-01, v12;
	v11 =	vadd.f32 v16, v15  }
0x9f: {  	v8 =	vadd.f32 v13, v8;
	v10 =	vmul.f32 $1.767766920e-01, v10  }
0xa0: {  	v12 =	vmul.f32 $1.442695020e+00, v12;
	v11 =	vmul.f32 $1.767766920e-01, v11  }
0xa1: {  	v8 =	vmul.f32 $1.767766920e-01, v8;
	v10 =	vmul.f32 $1.442695020e+00, v10  }
0xa2: {  	(erf) = vpow2.f32 v12;
	v11 =	vmul.f32 $1.442695020e+00, v11  }
0xa3: {  	v8 =	vmul.f32 $1.442695020e+00, v8;
	(erf) = vpow2.f32 v10  }
0xa4: {  	(erf) = vpow2.f32 v11  }
0xa5: {  	(erf) = vpow2.f32 v8;
	_ =	sdelay $0x1  }
0xa6: {  	v6 =	vmul.u32 $0x90, v6;
	_ =	sdelay $0x1  }
0xa7: {  	s12 =	simm.s32 $0x0;
	v12 =	vadd.s32 $0x80, v6  }
0xa8: {  	v14 =	vadd.s32 $0x82, v6;
	v13 =	vadd.s32 $0x81, v6;
	v10 =	vadd.s32 s12, v0  }
0xa9: {  	v16 =	vadd.s32 $0x83, v6;
	v11 =	vor.u32 v5, v9;
	v15 =	vand.u32 $0x7, v10;
	v8 =	vpop (erf)  }
0xaa: {  	v17 =	vand.u32 $0x18, v10;
	v18 =	vor.u32 v11, v15;
	v8 =	vmul.f32 v8, v7;
	v9 =	vpop (erf)  }
0xab: {  	v20 =	vor.u32 v17, v18;
	v19 =	vpop (erf);
	v10 =	vmul.f32 v9, v7  }
0xac: {  	[tilespmem:v12+s24+$0x0] =	vst.idx.msk $0xffff, v8;
	v9 =	vmul.f32 v19, v7;
	v12 =	vpop (erf)  }
0xad: {  	[tilespmem:v13+s24+$0x0] =	vst.idx.msk $0xffff, v10;
	v7 =	vmul.f32 v12, v7  }
0xae: {  	[tilespmem:v14+s24+$0x0] =	vst.idx.msk $0xffff, v9  }
0xaf: {  	[tilespmem:v16+s24+$0x0] =	vst.idx.msk $0xffff, v7  }
0xb0: {  	v12 =	vld.idx.msk [tilespmem:v20+s19+$0x0], $0xffff  }
0xb1: {  	v13 =	vadd.s32 v6, v17  }
0xb2: {  	v14 =	vor.u32 $0x20, v17;
	v13 =	vor.u32 v15, v13  }
0xb3: {  	v16 =	vor.u32 v14, v18;
	_ =	sdelay $0x1  }
0xb4: {  	v12 =	vmul.f32 v12, v8;
	_ =	sdelay $0x1  }
0xb5: {  	[tilespmem:v13+s24+$0x0] =	vst.idx.msk $0xffff, v12  }
0xb6: {  	v12 =	vld.idx.msk [tilespmem:v16+s19+$0x0], $0xffff  }
0xb7: {  	v13 =	vadd.s32 v6, v14  }
0xb8: {  	v14 =	vor.u32 $0x40, v17;
	v13 =	vor.u32 v15, v13  }
0xb9: {  	v16 =	vor.u32 v14, v18;
	_ =	sdelay $0x1  }
0xba: {  	v12 =	vmul.f32 v12, v10;
	_ =	sdelay $0x1  }
0xbb: {  	[tilespmem:v13+s24+$0x0] =	vst.idx.msk $0xffff, v12  }
0xbc: {  	v12 =	vld.idx.msk [tilespmem:v16+s19+$0x0], $0xffff  }
0xbd: {  	v13 =	vadd.s32 v6, v14  }
0xbe: {  	v14 =	vor.u32 $0x60, v17;
	v13 =	vor.u32 v15, v13  }
0xbf: {  	v16 =	vor.u32 v14, v18;
	_ =	sdelay $0x1  }
0xc0: {  	v12 =	vmul.f32 v12, v9;
	_ =	sdelay $0x1  }
0xc1: {  	s13 =	simm.s32 $0x1;
	[tilespmem:v13+s24+$0x0] =	vst.idx.msk $0xffff, v12  }
0xc2: {  	v13 =	vadd.s32 s13, v0;
	v12 =	vld.idx.msk [tilespmem:v16+s19+$0x0], $0xffff  }
0xc3: {  	v14 =	vadd.s32 v6, v14;
	v16 =	vand.u32 $0x7, v13  }
0xc4: {  	v14 =	vor.u32 v15, v14;
	v13 =	vand.u32 $0x18, v13;
	v15 =	vor.u32 v11, v16  }
0xc5: {  	v17 =	vor.u32 v13, v15;
	_ =	sdelay $0x1  }
0xc6: {  	v12 =	vmul.f32 v12, v7;
	_ =	sdelay $0x1  }
0xc7: {  	[tilespmem:v14+s24+$0x0] =	vst.idx.msk $0xffff, v12  }
0xc8: {  	v12 =	vld.idx.msk [tilespmem:v17+s19+$0x0], $0xffff  }
0xc9: {  	v14 =	vadd.s32 v6, v13  }
0xca: {  	v17 =	vor.u32 $0x20, v13;
	v14 =	vor.u32 v16, v14  }
0xcb: {  	v18 =	vor.u32 v17, v15;
	_ =	sdelay $0x1  }
0xcc: {  	v12 =	vmul.f32 v12, v8;
	_ =	sdelay $0x1  }
0xcd: {  	[tilespmem:v14+s24+$0x0] =	vst.idx.msk $0xffff, v12  }
0xce: {  	v12 =	vld.idx.msk [tilespmem:v18+s19+$0x0], $0xffff  }
0xcf: {  	v14 =	vadd.s32 v6, v17  }
0xd0: {  	v17 =	vor.u32 $0x40, v13;
	v14 =	vor.u32 v16, v14  }
0xd1: {  	v18 =	vor.u32 v17, v15;
	_ =	sdelay $0x1  }
0xd2: {  	v12 =	vmul.f32 v12, v10;
	_ =	sdelay $0x1  }
0xd3: {  	[tilespmem:v14+s24+$0x0] =	vst.idx.msk $0xffff, v12  }
0xd4: {  	v12 =	vld.idx.msk [tilespmem:v18+s19+$0x0], $0xffff  }
0xd5: {  	v14 =	vadd.s32 v6, v17  }
0xd6: {  	v13 =	vor.u32 $0x60, v13;
	v14 =	vor.u32 v16, v14  }
0xd7: {  	v15 =	vor.u32 v13, v15;
	_ =	sdelay $0x1  }
0xd8: {  	v12 =	vmul.f32 v12, v9;
	_ =	sdelay $0x1  }
0xd9: {  	s12 =	simm.s32 $0x2;
	[tilespmem:v14+s24+$0x0] =	vst.idx.msk $0xffff, v12  }
0xda: {  	v14 =	vadd.s32 s12, v0;
	v15 =	vld.idx.msk [tilespmem:v15+s19+$0x0], $0xffff  }
0xdb: {  	v13 =	vadd.s32 v6, v13;
	v12 =	vand.u32 $0x7, v14  }
0xdc: {  	v13 =	vor.u32 v16, v13;
	v23 =	vand.u32 $0x18, v14;
	v14 =	vor.u32 v11, v12  }
0xdd: {  	v16 =	vadd.s32 v6, v23;
	v17 =	vor.u32 $0x20, v23;
	v21 =	vor.u32 v23, v14  }
0xde: {  	v20 =	vor.u32 v12, v16;
	v19 =	vor.u32 v17, v14;
	v16 =	vadd.s32 v6, v17  }
0xdf: {  	v17 =	vor.u32 $0x40, v23;
	v16 =	vor.u32 v12, v16;
	v22 =	vmul.f32 v15, v7  }
0xe0: {  	s13 =	simm.s32 $0x4;
	v18 =	vor.u32 v17, v14;
	v17 =	vadd.s32 v6, v17;
	v15 =	vor.u32 $0x60, v23  }
.LBB2_6:
0xe1: {  	p3 =	sne.s32 s13, $0x1E;
	[tilespmem:v13+s24+$0x0] =	vst.idx.msk $0xffff, v22;
	s8 =	smov.u32 s13;
	s13 =	sadd.s32 $0x2, s13  }
0xe2: {  	v13 =	vld.idx.msk [tilespmem:v21+s19+$0x0], $0xffff;
	_ =	sdelay $0x5  }
0xe3: {  	v13 =	vmul.f32 v13, v8;
	_ =	sdelay $0x1  }
0xe4: {  	[tilespmem:v20+s24+$0x0] =	vst.idx.msk $0xffff, v13  }
0xe5: {  	v13 =	vld.idx.msk [tilespmem:v19+s19+$0x0], $0xffff;
	_ =	sdelay $0x5  }
0xe6: {  	v13 =	vmul.f32 v13, v10;
	_ =	sdelay $0x1  }
0xe7: {  	[tilespmem:v16+s24+$0x0] =	vst.idx.msk $0xffff, v13  }
0xe8: {  	v13 =	vld.idx.msk [tilespmem:v18+s19+$0x0], $0xffff;
	_ =	sdelay $0x2  }
0xe9: {  	v16 =	vor.u32 v12, v17  }
0xea: {  	v14 =	vor.u32 v15, v14;
	_ =	sdelay $0x1  }
0xeb: {  	v13 =	vmul.f32 v13, v9;
	_ =	sdelay $0x1  }
0xec: {  	[tilespmem:v16+s24+$0x0] =	vst.idx.msk $0xffff, v13  }
0xed: {  	s1 =	sadd.s32 $0x1, s12;
	s12 =	smov.u32 s8;
	v13 =	vld.idx.msk [tilespmem:v14+s19+$0x0], $0xffff  }
0xee: {  	v14 =	vadd.s32 s1, v0  }
0xef: {  	v15 =	vadd.s32 v6, v15;
	v16 =	vand.u32 $0x7, v14  }
0xf0: {  	v12 =	vor.u32 v12, v15;
	v14 =	vand.u32 $0x18, v14;
	v15 =	vor.u32 v11, v16  }
0xf1: {  	v18 =	vadd.s32 v6, v14;
	v19 =	vor.u32 $0x20, v14;
	v17 =	vor.u32 v14, v15  }
0xf2: {  	v18 =	vor.u32 v16, v18;
	v20 =	vor.u32 v19, v15;
	v19 =	vadd.s32 v6, v19  }
0xf3: {  	v21 =	vor.u32 $0x40, v14;
	v19 =	vor.u32 v16, v19;
	v13 =	vmul.f32 v13, v7  }
0xf4: {  	v22 =	vor.u32 v21, v15;
	v21 =	vadd.s32 v6, v21;
	v14 =	vor.u32 $0x60, v14  }
0xf5: {  	v15 =	vor.u32 v14, v15;
	[tilespmem:v12+s24+$0x0] =	vst.idx.msk $0xffff, v13;
	v12 =	vor.u32 v16, v21  }
0xf6: {  	v13 =	vadd.s32 v6, v14;
	v17 =	vld.idx.msk [tilespmem:v17+s19+$0x0], $0xffff  }
0xf7: {  	v13 =	vor.u32 v16, v13;
	_ =	sdelay $0x4  }
0xf8: {  	v14 =	vmul.f32 v17, v8;
	_ =	sdelay $0x1  }
0xf9: {  	[tilespmem:v18+s24+$0x0] =	vst.idx.msk $0xffff, v14  }
0xfa: {  	v14 =	vld.idx.msk [tilespmem:v20+s19+$0x0], $0xffff;
	_ =	sdelay $0x5  }
0xfb: {  	v14 =	vmul.f32 v14, v10;
	_ =	sdelay $0x1  }
0xfc: {  	[tilespmem:v19+s24+$0x0] =	vst.idx.msk $0xffff, v14  }
0xfd: {  	v14 =	vld.idx.msk [tilespmem:v22+s19+$0x0], $0xffff;
	_ =	sdelay $0x5  }
0xfe: {  	v14 =	vmul.f32 v14, v9;
	_ =	sdelay $0x1  }
0xff: {  	[tilespmem:v12+s24+$0x0] =	vst.idx.msk $0xffff, v14  }
0x100: {  	v15 =	vld.idx.msk [tilespmem:v15+s19+$0x0], $0xffff  }
0x101: {  	v14 =	vadd.s32 s12, v0  }
0x102: {  	v12 =	vand.u32 $0x7, v14  }
.Ltmp3:
0x103: {  	v23 =	vand.u32 $0x18, v14;
	v14 =	vor.u32 v11, v12;
	(pc) =	sbr.rel @p3 .LBB2_6-.Ltmp3, $4  }
0x104: {  	v16 =	vadd.s32 v6, v23;
	v17 =	vor.u32 $0x20, v23;
	v21 =	vor.u32 v23, v14  }
0x105: {  	v20 =	vor.u32 v12, v16;
	v19 =	vor.u32 v17, v14;
	v16 =	vadd.s32 v6, v17  }
0x106: {  	v17 =	vor.u32 $0x40, v23;
	v16 =	vor.u32 v12, v16;
	v22 =	vmul.f32 v15, v7  }
0x107: {  	v18 =	vor.u32 v17, v14;
	v17 =	vadd.s32 v6, v17;
	v15 =	vor.u32 $0x60, v23  }
0x108: {  	_ =	sdelay $0x3  }
0x109: {  	[tilespmem:v13+s24+$0x0] =	vst.idx.msk $0xffff, v22  }
0x10a: {  	v13 =	vld.idx.msk [tilespmem:v21+s19+$0x0], $0xffff;
	_ =	sdelay $0x4  }
0x10b: {  	v13 =	vmul.f32 v13, v8;
	_ =	sdelay $0x1  }
0x10c: {  	[tilespmem:v20+s24+$0x0] =	vst.idx.msk $0xffff, v13  }
0x10d: {  	v13 =	vld.idx.msk [tilespmem:v19+s19+$0x0], $0xffff;
	_ =	sdelay $0x4  }
0x10e: {  	v13 =	vmul.f32 v13, v10;
	_ =	sdelay $0x1  }
0x10f: {  	[tilespmem:v16+s24+$0x0] =	vst.idx.msk $0xffff, v13  }
0x110: {  	v13 =	vld.idx.msk [tilespmem:v18+s19+$0x0], $0xffff;
	_ =	sdelay $0x1  }
0x111: {  	v49 =	vor.u32 v12, v17  }
0x112: {  	v14 =	vor.u32 v15, v14;
	_ =	sdelay $0x1  }
0x113: {  	v13 =	vmul.f32 v13, v9;
	_ =	sdelay $0x1  }
0x114: {  	s1 =	sadd.s32 $0x1, s12;
	[tilespmem:v49+s24+$0x0] =	vst.idx.msk $0xffff, v13  }
0x115: {  	v50 =	vadd.s32 s1, v0;
	v13 =	vld.idx.msk [tilespmem:v14+s19+$0x0], $0xffff  }
0x116: {  	v51 =	vadd.s32 v6, v15;
	v52 =	vand.u32 $0x7, v50  }
0x117: {  	v53 =	vor.u32 v12, v51;
	v11 =	vor.u32 v11, v52;
	v14 =	vand.u32 $0x18, v50  }
0x118: {  	v54 =	vor.u32 v14, v11;
	_ =	sdelay $0x1  }
0x119: {  	v13 =	vmul.f32 v13, v7;
	_ =	sdelay $0x1  }
0x11a: {  	[tilespmem:v53+s24+$0x0] =	vst.idx.msk $0xffff, v13  }
0x11b: {  	v12 =	vld.idx.msk [tilespmem:v54+s19+$0x0], $0xffff  }
0x11c: {  	v55 =	vadd.s32 v6, v14  }
0x11d: {  	v56 =	vor.u32 $0x20, v14;
	v13 =	vor.u32 v52, v55  }
0x11e: {  	v57 =	vor.u32 v56, v11;
	_ =	sdelay $0x1  }
0x11f: {  	v58 =	vmul.f32 v12, v8;
	_ =	sdelay $0x1  }
0x120: {  	[tilespmem:v13+s24+$0x0] =	vst.idx.msk $0xffff, v58  }
0x121: {  	v8 =	vld.idx.msk [tilespmem:v57+s19+$0x0], $0xffff  }
0x122: {  	v59 =	vadd.s32 v6, v56  }
0x123: {  	v60 =	vor.u32 $0x40, v14;
	v12 =	vor.u32 v52, v59  }
0x124: {  	v61 =	vor.u32 v60, v11;
	_ =	sdelay $0x1  }
0x125: {  	v8 =	vmul.f32 v8, v10;
	_ =	sdelay $0x1  }
0x126: {  	[tilespmem:v12+s24+$0x0] =	vst.idx.msk $0xffff, v8  }
0x127: {  	v8 =	vld.idx.msk [tilespmem:v61+s19+$0x0], $0xffff  }
0x128: {  	v62 =	vadd.s32 v6, v60  }
0x129: {  	v63 =	vor.u32 $0x60, v14;
	v10 =	vor.u32 v52, v62  }
0x12a: {  	v11 =	vor.u32 v63, v11;
	_ =	sdelay $0x1  }
0x12b: {  	v8 =	vmul.f32 v8, v9;
	_ =	sdelay $0x1  }
0x12c: {  	[tilespmem:v10+s24+$0x0] =	vst.idx.msk $0xffff, v8  }
0x12d: {  	v8 =	vld.idx.msk [tilespmem:v11+s19+$0x0], $0xffff  }
0x12e: {  	v6 =	vadd.s32 v6, v63  }
0x12f: {  	v6 =	vor.u32 v52, v6  }
.Ltmp4:
0x130: {  	_ = 	snop;
	(pc) =	sbr.rel @p2 .LBB2_3-.Ltmp4, $3  }
0x131: {  	_ = 	snop  }
0x132: {  	v7 =	vmul.f32 v8, v7;
	_ =	sdelay $0x1  }
0x133: {  	s12 =	simm.s32 $0x10;
	p3 =	por $0x0, $0x0;
	[tilespmem:v6+s24+$0x0] =	vst.idx.msk $0xffff, v7  }
0x134: {  	p2 =	sne.s32 s3, $0x9F  }
.Ltmp5:
0x135: {  	_ = 	snop;
	(pc) =	sbr.rel @p2 .LBB2_10-.Ltmp5, $2  }
0x136: {  	_ =	sdelay $0x2  }
0x137: {  	[spmem:s2] =	stream.indirect.scatter.add.f32 [tilespmem:s24], [sflag:$0x5], $0x90, s26, s25, $0xb8;
	[tilespmem:$0x1E590] =	vst v63  }
.Ltmp6:
0x138: {  	(pc) =	sbr.rel .LBB2_11-.Ltmp6, $4  }
0x139: {  	_ = 	snop  }
0x13a: {  	_ =	swait.ge [sflag:s28], $0x3000  }
0x13b: {  	[sflag:s28] =	ssyncset.done $0x0  }
0x13c: {  	[sflag:s28] =	ssyncadd.s32 $0xFFFFD000  }
.LBB2_10:
0x13d: {  	_ =	swait.ge [sflag:s16], $0x60  }
0x13e: {  	[sflag:s16] =	ssyncset.done $0x0  }
0x13f: {  	[sflag:s16] =	ssyncadd.s32 $0xFFFFFFA0  }
0x140: {  	v6 =	vld [tilespmem:$0x0]  }
0x141: {  	v7 =	vld [tilespmem:$0x20];
	_ =	sdelay $0x1  }
0x142: {  	v8 =	vld [tilespmem:$0x10]  }
0x143: {  	v9 =	vld [tilespmem:$0x30]  }
0x144: {  	v6 =	vadd.s32 v1, v6  }
0x145: {  	[tilespmem:$0xC0] =	vst v6;
	v6 =	vadd.s32 v2, v7  }
0x146: {  	[tilespmem:$0xE0] =	vst v6;
	v6 =	vadd.s32 v3, v7  }
0x147: {  	[tilespmem:$0x100] =	vst v6;
	v6 =	vadd.s32 v1, v8  }
0x148: {  	[tilespmem:$0xD0] =	vst v6;
	v6 =	vadd.s32 v2, v9  }
0x149: {  	[tilespmem:$0xF0] =	vst v6;
	v6 =	vadd.s32 v3, v9  }
.Ltmp7:
0x14a: {  	[tilespmem:$0x110] =	vst v6;
	(pc) =	sbr.rel @p1 .LBB2_12-.Ltmp7, $4  }
0x14b: {  	[tilespmem:s19], [sflag:$0x1] =	stream.indirect.gather [hbm4b:s4+s17], $0x80, s18, s17, $0xb8;
	[tilespmem:$0x1E590] =	vst v63  }
0x14c: {  	_ =	swait.ge [sflag:s28], $0x3000  }
0x14d: {  	[sflag:s28] =	ssyncset.done $0x0  }
0x14e: {  	[sflag:s28] =	ssyncadd.s32 $0xFFFFD000  }
.LBB2_11:
0x14f: {  	_ =	swait.ge [sflag:s29], $0x1200  }
0x150: {  	[sflag:s29] =	ssyncset.done $0x0  }
0x151: {  	[sflag:s29] =	ssyncadd.s32 $0xFFFFEE00  }
.LBB2_12:
0x152: {  	v6 =	vld [tilespmem:$0x60]  }
0x153: {  	v7 =	vld [tilespmem:$0xA0]  }
0x154: {  	v8 =	vld [tilespmem:$0x70]  }
0x155: {  	v9 =	vld [tilespmem:$0xB0];
	_ =	sdelay $0x1  }
0x156: {  	s1 =	sadd.s32 @!p0 s6, s11;
	[tilespmem:$0x85A0] =	vst v6  }
0x157: {  	s1 =	smul.u32 @!p0 $0xC, s1;
	[tilespmem:$0x85E0] =	vst v7  }
0x158: {  	[tilespmem:$0x85B0] =	vst v8  }
0x159: {  	s6 =	simm.s32 @!p0 $0x0;
	s8 =	simm.s32 @!p0 $0x60;
	s1 =	sadd.s32 @!p0 s5, s1;
	[tilespmem:$0x85F0] =	vst v9  }
0x15a: {  	[tilespmem:s8], [sflag:$0x4] =	stream.linear.gather @!p0 [hbm4b:s1+s6], $0x60, $0x38;
	[tilespmem:$0x1E590] =	vst v63  }
0x15b: {  	p2 =	por $0x1, $0x1;
	s9 =	simm.s32 $0x0;
	s6 =	simm.s32 $0x0  }
.LBB2_13:
0x15c: {  	v7 =	vmov s9;
	v6 =	vor.u32 s9, v0;
	v11 =	vadd.s32 s6, v0  }
0x15d: {  	v9 =	vshll.u32 v7, $0x7;
	v8 =	vshll.u32 v6, $0x7;
	v7 =	vand.u32 $0x7, v11  }
0x15e: {  	v11 =	vand.u32 $0x18, v11;
	v12 =	vor.u32 v8, v7  }
0x15f: {  	v10 =	vor.u32 v4, v9;
	v17 =	vor.u32 $0x40, v11;
	v13 =	vor.u32 v11, v12  }
0x160: {  	v14 =	vor.u32 v10, v7;
	v19 =	vor.u32 v17, v12  }
0x161: {  	v7 =	vor.u32 $0x20, v11;
	v15 =	vor.u32 v11, v14  }
0x162: {  	v16 =	vor.u32 v7, v12  }
0x163: {  	s1 =	simm.s32 $0x1;
	v18 =	vor.u32 v7, v14;
	v7 =	vld [tilespmem:s9+$0x85E0];
	v11 =	vor.u32 $0x60, v11  }
0x164: {  	v20 =	vadd.s32 s1, v0;
	v12 =	vor.u32 v11, v12;
	v23 =	vld.idx.msk [tilespmem:v13+s22+$0x0], $0xffff  }
0x165: {  	v13 =	vor.u32 v17, v14;
	v17 =	vand.u32 $0x7, v20;
	v27 =	vld.idx.msk [tilespmem:v19+s22+$0x0], $0xffff  }
0x166: {  	v11 =	vor.u32 v11, v14;
	v20 =	vand.u32 $0x18, v20;
	v15 =	vld.idx.msk [tilespmem:v15+s22+$0x0], $0xffff;
	v21 =	vor.u32 v8, v17  }
0x167: {  	v14 =	vld.idx.msk [tilespmem:v16+s22+$0x0], $0xffff;
	v16 =	vor.u32 v10, v17;
	v17 =	vor.u32 v20, v21  }
0x168: {  	v18 =	vld.idx.msk [tilespmem:v18+s22+$0x0], $0xffff;
	v22 =	vor.u32 $0x20, v20;
	v24 =	vor.u32 v20, v16  }
0x169: {  	v19 =	vor.u32 v22, v21;
	v29 =	vld.idx.msk [tilespmem:v12+s22+$0x0], $0xffff  }
0x16a: {  	v12 =	vor.u32 v22, v16;
	v28 =	vld.idx.msk [tilespmem:v13+s22+$0x0], $0xffff;
	v13 =	vor.u32 $0x40, v20  }
0x16b: {  	v31 =	vimm.f32 $0.0e+00;
	s12 =	simm.s32 $0x2;
	v30 =	vld.idx.msk [tilespmem:v11+s22+$0x0], $0xffff;
	v11 =	vor.u32 v13, v21  }
0x16c: {  	s13 =	simm.s32 $0x3;
	v22 =	vadd.s32 s12, v0;
	v32 =	vld.idx.msk [tilespmem:v17+s22+$0x0], $0xffff;
	v17 =	vor.u32 v13, v16;
	v13 =	vor.u32 $0x60, v20  }
0x16d: {  	v25 =	vadd.s32 s13, v0;
	v20 =	vand.u32 $0x7, v22;
	v33 =	vld.idx.msk [tilespmem:v24+s22+$0x0], $0xffff;
	v21 =	vor.u32 v13, v21  }
0x16e: {  	v22 =	vand.u32 $0x18, v22;
	v34 =	vld.idx.msk [tilespmem:v19+s22+$0x0], $0xffff;
	v24 =	vor.u32 v8, v20;
	v19 =	vor.u32 v13, v16  }
0x16f: {  	v18 =	vmul.f32 v18, v14;
	v36 =	vld.idx.msk [tilespmem:v12+s22+$0x0], $0xffff;
	v35 =	vor.u32 v10, v20;
	v26 =	vor.u32 v22, v24  }
0x170: {  	v13 =	vand.u32 $0x18, v25;
	v16 =	vor.u32 $0x20, v22;
	v12 =	vor.u32 v22, v35;
	v37 =	vld.idx.msk [tilespmem:v11+s22+$0x0], $0xffff  }
0x171: {  	v20 =	vand.u32 $0x7, v25;
	v25 =	vor.u32 $0x40, v22;
	v39 =	vor.u32 v16, v35;
	v38 =	vld.idx.msk [tilespmem:v17+s22+$0x0], $0xffff  }
0x172: {  	v63 =	vmul.f32 v15, v23;
	v45 =	vmul.f32 v30, v29;
	v41 =	vor.u32 v25, v24;
	v40 =	vld.idx.msk [tilespmem:v21+s22+$0x0], $0xffff  }
0x173: {  	v30 =	vadd.f32 v18, v31;
	v22 =	vor.u32 $0x60, v22;
	v43 =	vor.u32 v25, v35;
	v42 =	vld.idx.msk [tilespmem:v19+s22+$0x0], $0xffff  }
0x174: {  	v25 =	vor.u32 v22, v35;
	v44 =	vmul.f32 v28, v27;
	v11 =	vor.u32 v16, v24;
	v19 =	vld.idx.msk [tilespmem:v26+s22+$0x0], $0xffff  }
0x175: {  	v16 =	vor.u32 v10, v20;
	v17 =	vor.u32 v8, v20;
	v26 =	vor.u32 v22, v24;
	v12 =	vld.idx.msk [tilespmem:v12+s22+$0x0], $0xffff  }
0x176: {  	v20 =	vor.u32 $0x40, v13;
	v23 =	vor.u32 v13, v16;
	v29 =	vmul.f32 v33, v32;
	v14 =	vld.idx.msk [tilespmem:v39+s22+$0x0], $0xffff  }
0x177: {  	v27 =	vmul.f32 v36, v34;
	v33 =	vadd.f32 v63, v31;
	v22 =	vor.u32 v13, v17;
	v15 =	vld.idx.msk [tilespmem:v41+s22+$0x0], $0xffff  }
0x178: {  	v32 =	vadd.f32 v44, v31;
	v31 =	vadd.f32 v45, v31;
	v21 =	vor.u32 $0x20, v13;
	v18 =	vld.idx.msk [tilespmem:v43+s22+$0x0], $0xffff  }
0x179: {  	p1 =	por p2, p2;
	s9 =	simm.s32 $0x4;
	v24 =	vor.u32 v21, v17;
	v11 =	vld.idx.msk [tilespmem:v11+s22+$0x0], $0xffff;
	v28 =	vmul.f32 v38, v37;
	v34 =	vmul.f32 v42, v40  }
.LBB2_14:
0x17a: {  	p2 =	sne.s32 s9, $0x1E;
	v35 =	vld.idx.msk [tilespmem:v26+s22+$0x0], $0xffff;
	v21 =	vor.u32 v21, v16;
	v33 =	vadd.f32 v29, v33;
	v30 =	vadd.f32 v27, v30  }
0x17b: {  	v27 =	vld.idx.msk [tilespmem:v25+s22+$0x0], $0xffff;
	v25 =	vor.u32 v20, v17;
	v32 =	vadd.f32 v28, v32;
	v31 =	vadd.f32 v34, v31  }
0x17c: {  	v26 =	vadd.s32 s9, v0;
	s1 =	sadd.s32 $0x1, s9;
	v13 =	vor.u32 $0x60, v13;
	v29 =	vmovc v19;
	v20 =	vor.u32 v20, v16;
	v28 =	vld.idx.msk [tilespmem:v22+s22+$0x0], $0xffff  }
0x17d: {  	v19 =	vand.u32 $0x7, v26;
	v22 =	vadd.s32 s1, v0;
	v34 =	vld.idx.msk [tilespmem:v23+s22+$0x0], $0xffff;
	v23 =	vor.u32 v13, v17  }
0x17e: {  	v17 =	vand.u32 $0x18, v26;
	v26 =	vor.u32 v8, v19;
	v36 =	vld.idx.msk [tilespmem:v24+s22+$0x0], $0xffff;
	v24 =	vor.u32 v13, v16  }
0x17f: {  	v38 =	vor.u32 v10, v19;
	v37 =	vor.u32 v17, v26;
	v13 =	vand.u32 $0x18, v22;
	v39 =	vld.idx.msk [tilespmem:v21+s22+$0x0], $0xffff  }
0x180: {  	v19 =	vand.u32 $0x7, v22;
	v40 =	vor.u32 v17, v38;
	v16 =	vor.u32 $0x20, v17;
	v41 =	vld.idx.msk [tilespmem:v25+s22+$0x0], $0xffff  }
0x181: {  	v22 =	vor.u32 $0x40, v17;
	v42 =	vor.u32 v16, v26;
	v25 =	vor.u32 $0x60, v17;
	v43 =	vld.idx.msk [tilespmem:v20+s22+$0x0], $0xffff  }
0x182: {  	v44 =	vor.u32 v16, v38;
	v16 =	vor.u32 v10, v19;
	v17 =	vor.u32 v8, v19;
	v45 =	vld.idx.msk [tilespmem:v23+s22+$0x0], $0xffff  }
0x183: {  	v46 =	vor.u32 v22, v26;
	v21 =	vor.u32 $0x20, v13;
	v20 =	vor.u32 $0x40, v13;
	v47 =	vld.idx.msk [tilespmem:v24+s22+$0x0], $0xffff  }
0x184: {  	v26 =	vor.u32 v25, v26;
	v25 =	vor.u32 v25, v38;
	v19 =	vld.idx.msk [tilespmem:v37+s22+$0x0], $0xffff;
	v37 =	vor.u32 v22, v38  }
.Ltmp8:
0x185: {  	v22 =	vor.u32 v13, v17;
	v38 =	vmul.f32 v12, v29;
	v12 =	vld.idx.msk [tilespmem:v40+s22+$0x0], $0xffff;
	v40 =	vmul.f32 v14, v11;
	(pc) =	sbr.rel @p2 .LBB2_14-.Ltmp8, $4  }
0x186: {  	v35 =	vmul.f32 v27, v35;
	v23 =	vor.u32 v13, v16;
	v11 =	vld.idx.msk [tilespmem:v42+s22+$0x0], $0xffff;
	v42 =	vmul.f32 v18, v15  }
0x187: {  	v24 =	vor.u32 v21, v17;
	v29 =	vmul.f32 v34, v28;
	v27 =	vmul.f32 v39, v36;
	v14 =	vld.idx.msk [tilespmem:v44+s22+$0x0], $0xffff  }
0x188: {  	v33 =	vadd.f32 v38, v33;
	v28 =	vmul.f32 v43, v41;
	v30 =	vadd.f32 v40, v30;
	v15 =	vld.idx.msk [tilespmem:v46+s22+$0x0], $0xffff  }
0x189: {  	s9 =	sadd.s32 $0x2, s9;
	v31 =	vadd.f32 v35, v31;
	v32 =	vadd.f32 v42, v32;
	v34 =	vmul.f32 v47, v45;
	v18 =	vld.idx.msk [tilespmem:v37+s22+$0x0], $0xffff  }
0x18a: {  	_ =	sdelay $0x3  }
0x18b: {  	v8 =	vld.idx.msk [tilespmem:v26+s22+$0x0], $0xffff;
	v10 =	vor.u32 v21, v16  }
0x18c: {  	v21 =	vld.idx.msk [tilespmem:v25+s22+$0x0], $0xffff;
	v61 =	vor.u32 v20, v17  }
0x18d: {  	v22 =	vld.idx.msk [tilespmem:v22+s22+$0x0], $0xffff;
	v20 =	vor.u32 v20, v16;
	v13 =	vor.u32 $0x60, v13  }
0x18e: {  	v23 =	vld.idx.msk [tilespmem:v23+s22+$0x0], $0xffff;
	v17 =	vor.u32 v13, v17  }
0x18f: {  	v13 =	vor.u32 v13, v16;
	v16 =	vld.idx.msk [tilespmem:v24+s22+$0x0], $0xffff  }
0x190: {  	v10 =	vld.idx.msk [tilespmem:v10+s22+$0x0], $0xffff  }
0x191: {  	v62 =	vld.idx.msk [tilespmem:v61+s22+$0x0], $0xffff  }
0x192: {  	v63 =	vadd.f32 v29, v33;
	v12 =	vmul.f32 v12, v19;
	v20 =	vld.idx.msk [tilespmem:v20+s22+$0x0], $0xffff  }
0x193: {  	v17 =	vld.idx.msk [tilespmem:v17+s22+$0x0], $0xffff  }
0x194: {  	v12 =	vadd.f32 v12, v63;
	v13 =	vld.idx.msk [tilespmem:v13+s22+$0x0], $0xffff  }
0x195: {  	v11 =	vmul.f32 v14, v11;
	v19 =	vmul.f32 v23, v22;
	v22 =	vadd.f32 v27, v30  }
0x196: {  	v14 =	vadd.f32 v34, v31;
	v15 =	vmul.f32 v18, v15;
	v23 =	vadd.f32 v28, v32  }
0x197: {  	v8 =	vmul.f32 v21, v8;
	v11 =	vadd.f32 v11, v22;
	v10 =	vmul.f32 v10, v16  }
0x198: {  	v12 =	vadd.f32 v19, v12;
	v15 =	vadd.f32 v15, v23;
	v16 =	vmul.f32 v20, v62  }
0x199: {  	v8 =	vadd.f32 v8, v14;
	v13 =	vmul.f32 v13, v17;
	v10 =	vadd.f32 v10, v11  }
0x19a: {  	v12 =	vmul.f32 $1.767766920e-01, v12;
	v11 =	vadd.f32 v16, v15  }
0x19b: {  	v8 =	vadd.f32 v13, v8;
	v10 =	vmul.f32 $1.767766920e-01, v10  }
0x19c: {  	v12 =	vmul.f32 $1.442695020e+00, v12;
	v11 =	vmul.f32 $1.767766920e-01, v11  }
0x19d: {  	v8 =	vmul.f32 $1.767766920e-01, v8;
	v10 =	vmul.f32 $1.442695020e+00, v10  }
0x19e: {  	(erf) = vpow2.f32 v12;
	v11 =	vmul.f32 $1.442695020e+00, v11  }
0x19f: {  	v8 =	vmul.f32 $1.442695020e+00, v8;
	(erf) = vpow2.f32 v10  }
0x1a0: {  	(erf) = vpow2.f32 v11  }
0x1a1: {  	(erf) = vpow2.f32 v8;
	_ =	sdelay $0x1  }
0x1a2: {  	v6 =	vmul.u32 $0x90, v6;
	_ =	sdelay $0x1  }
0x1a3: {  	s1 =	simm.s32 $0x0;
	v12 =	vadd.s32 $0x80, v6  }
0x1a4: {  	v14 =	vadd.s32 $0x82, v6;
	v13 =	vadd.s32 $0x81, v6;
	v10 =	vadd.s32 s1, v0  }
0x1a5: {  	v16 =	vadd.s32 $0x83, v6;
	v11 =	vor.u32 v5, v9;
	v15 =	vand.u32 $0x7, v10;
	v8 =	vpop (erf)  }
0x1a6: {  	v17 =	vand.u32 $0x18, v10;
	v18 =	vor.u32 v11, v15;
	v8 =	vmul.f32 v8, v7;
	v9 =	vpop (erf)  }
0x1a7: {  	v20 =	vor.u32 v17, v18;
	v19 =	vpop (erf);
	v10 =	vmul.f32 v9, v7  }
0x1a8: {  	[tilespmem:v12+s30+$0x0] =	vst.idx.msk $0xffff, v8;
	v9 =	vmul.f32 v19, v7;
	v12 =	vpop (erf)  }
0x1a9: {  	[tilespmem:v13+s30+$0x0] =	vst.idx.msk $0xffff, v10;
	v7 =	vmul.f32 v12, v7  }
0x1aa: {  	[tilespmem:v14+s30+$0x0] =	vst.idx.msk $0xffff, v9  }
0x1ab: {  	[tilespmem:v16+s30+$0x0] =	vst.idx.msk $0xffff, v7  }
0x1ac: {  	v12 =	vld.idx.msk [tilespmem:v20+s22+$0x0], $0xffff  }
0x1ad: {  	v13 =	vadd.s32 v6, v17  }
0x1ae: {  	v14 =	vor.u32 $0x20, v17;
	v13 =	vor.u32 v15, v13  }
0x1af: {  	v16 =	vor.u32 v14, v18;
	_ =	sdelay $0x1  }
0x1b0: {  	v12 =	vmul.f32 v12, v8;
	_ =	sdelay $0x1  }
0x1b1: {  	[tilespmem:v13+s30+$0x0] =	vst.idx.msk $0xffff, v12  }
0x1b2: {  	v12 =	vld.idx.msk [tilespmem:v16+s22+$0x0], $0xffff  }
0x1b3: {  	v13 =	vadd.s32 v6, v14  }
0x1b4: {  	v14 =	vor.u32 $0x40, v17;
	v13 =	vor.u32 v15, v13  }
0x1b5: {  	v16 =	vor.u32 v14, v18;
	_ =	sdelay $0x1  }
0x1b6: {  	v12 =	vmul.f32 v12, v10;
	_ =	sdelay $0x1  }
0x1b7: {  	[tilespmem:v13+s30+$0x0] =	vst.idx.msk $0xffff, v12  }
0x1b8: {  	v12 =	vld.idx.msk [tilespmem:v16+s22+$0x0], $0xffff  }
0x1b9: {  	v13 =	vadd.s32 v6, v14  }
0x1ba: {  	v14 =	vor.u32 $0x60, v17;
	v13 =	vor.u32 v15, v13  }
0x1bb: {  	v16 =	vor.u32 v14, v18;
	_ =	sdelay $0x1  }
0x1bc: {  	v12 =	vmul.f32 v12, v9;
	_ =	sdelay $0x1  }
0x1bd: {  	s13 =	simm.s32 $0x1;
	[tilespmem:v13+s30+$0x0] =	vst.idx.msk $0xffff, v12  }
0x1be: {  	v13 =	vadd.s32 s13, v0;
	v12 =	vld.idx.msk [tilespmem:v16+s22+$0x0], $0xffff  }
0x1bf: {  	v14 =	vadd.s32 v6, v14;
	v16 =	vand.u32 $0x7, v13  }
0x1c0: {  	v14 =	vor.u32 v15, v14;
	v13 =	vand.u32 $0x18, v13;
	v15 =	vor.u32 v11, v16  }
0x1c1: {  	v17 =	vor.u32 v13, v15;
	_ =	sdelay $0x1  }
0x1c2: {  	v12 =	vmul.f32 v12, v7;
	_ =	sdelay $0x1  }
0x1c3: {  	[tilespmem:v14+s30+$0x0] =	vst.idx.msk $0xffff, v12  }
0x1c4: {  	v12 =	vld.idx.msk [tilespmem:v17+s22+$0x0], $0xffff  }
0x1c5: {  	v14 =	vadd.s32 v6, v13  }
0x1c6: {  	v17 =	vor.u32 $0x20, v13;
	v14 =	vor.u32 v16, v14  }
0x1c7: {  	v18 =	vor.u32 v17, v15;
	_ =	sdelay $0x1  }
0x1c8: {  	v12 =	vmul.f32 v12, v8;
	_ =	sdelay $0x1  }
0x1c9: {  	[tilespmem:v14+s30+$0x0] =	vst.idx.msk $0xffff, v12  }
0x1ca: {  	v12 =	vld.idx.msk [tilespmem:v18+s22+$0x0], $0xffff  }
0x1cb: {  	v14 =	vadd.s32 v6, v17  }
0x1cc: {  	v17 =	vor.u32 $0x40, v13;
	v14 =	vor.u32 v16, v14  }
0x1cd: {  	v18 =	vor.u32 v17, v15;
	_ =	sdelay $0x1  }
0x1ce: {  	v12 =	vmul.f32 v12, v10;
	_ =	sdelay $0x1  }
0x1cf: {  	[tilespmem:v14+s30+$0x0] =	vst.idx.msk $0xffff, v12  }
0x1d0: {  	v12 =	vld.idx.msk [tilespmem:v18+s22+$0x0], $0xffff  }
0x1d1: {  	v14 =	vadd.s32 v6, v17  }
0x1d2: {  	v13 =	vor.u32 $0x60, v13;
	v14 =	vor.u32 v16, v14  }
0x1d3: {  	v15 =	vor.u32 v13, v15;
	_ =	sdelay $0x1  }
0x1d4: {  	v12 =	vmul.f32 v12, v9;
	_ =	sdelay $0x1  }
0x1d5: {  	s9 =	simm.s32 $0x2;
	[tilespmem:v14+s30+$0x0] =	vst.idx.msk $0xffff, v12  }
0x1d6: {  	v14 =	vadd.s32 s9, v0;
	v15 =	vld.idx.msk [tilespmem:v15+s22+$0x0], $0xffff  }
0x1d7: {  	v13 =	vadd.s32 v6, v13;
	v12 =	vand.u32 $0x7, v14  }
0x1d8: {  	v13 =	vor.u32 v16, v13;
	v23 =	vand.u32 $0x18, v14;
	v14 =	vor.u32 v11, v12  }
0x1d9: {  	v16 =	vadd.s32 v6, v23;
	v17 =	vor.u32 $0x20, v23;
	v21 =	vor.u32 v23, v14  }
0x1da: {  	v20 =	vor.u32 v12, v16;
	v19 =	vor.u32 v17, v14;
	v16 =	vadd.s32 v6, v17  }
0x1db: {  	v17 =	vor.u32 $0x40, v23;
	v16 =	vor.u32 v12, v16;
	v22 =	vmul.f32 v15, v7  }
0x1dc: {  	s12 =	simm.s32 $0x4;
	v18 =	vor.u32 v17, v14;
	v17 =	vadd.s32 v6, v17;
	v15 =	vor.u32 $0x60, v23  }
.LBB2_16:
0x1dd: {  	p2 =	sne.s32 s12, $0x1E;
	[tilespmem:v13+s30+$0x0] =	vst.idx.msk $0xffff, v22;
	s1 =	smov.u32 s12;
	s12 =	sadd.s32 $0x2, s12  }
0x1de: {  	v13 =	vld.idx.msk [tilespmem:v21+s22+$0x0], $0xffff;
	_ =	sdelay $0x5  }
0x1df: {  	v13 =	vmul.f32 v13, v8;
	_ =	sdelay $0x1  }
0x1e0: {  	[tilespmem:v20+s30+$0x0] =	vst.idx.msk $0xffff, v13  }
0x1e1: {  	v13 =	vld.idx.msk [tilespmem:v19+s22+$0x0], $0xffff;
	_ =	sdelay $0x5  }
0x1e2: {  	v13 =	vmul.f32 v13, v10;
	_ =	sdelay $0x1  }
0x1e3: {  	[tilespmem:v16+s30+$0x0] =	vst.idx.msk $0xffff, v13  }
0x1e4: {  	v13 =	vld.idx.msk [tilespmem:v18+s22+$0x0], $0xffff;
	_ =	sdelay $0x2  }
0x1e5: {  	v16 =	vor.u32 v12, v17  }
0x1e6: {  	v14 =	vor.u32 v15, v14;
	_ =	sdelay $0x1  }
0x1e7: {  	v13 =	vmul.f32 v13, v9;
	_ =	sdelay $0x1  }
0x1e8: {  	[tilespmem:v16+s30+$0x0] =	vst.idx.msk $0xffff, v13  }
0x1e9: {  	s8 =	sadd.s32 $0x1, s9;
	s9 =	smov.u32 s1;
	v13 =	vld.idx.msk [tilespmem:v14+s22+$0x0], $0xffff  }
0x1ea: {  	v14 =	vadd.s32 s8, v0  }
0x1eb: {  	v15 =	vadd.s32 v6, v15;
	v16 =	vand.u32 $0x7, v14  }
0x1ec: {  	v12 =	vor.u32 v12, v15;
	v14 =	vand.u32 $0x18, v14;
	v15 =	vor.u32 v11, v16  }
0x1ed: {  	v18 =	vadd.s32 v6, v14;
	v19 =	vor.u32 $0x20, v14;
	v17 =	vor.u32 v14, v15  }
0x1ee: {  	v18 =	vor.u32 v16, v18;
	v20 =	vor.u32 v19, v15;
	v19 =	vadd.s32 v6, v19  }
0x1ef: {  	v21 =	vor.u32 $0x40, v14;
	v19 =	vor.u32 v16, v19;
	v13 =	vmul.f32 v13, v7  }
0x1f0: {  	v22 =	vor.u32 v21, v15;
	v21 =	vadd.s32 v6, v21;
	v14 =	vor.u32 $0x60, v14  }
0x1f1: {  	v15 =	vor.u32 v14, v15;
	[tilespmem:v12+s30+$0x0] =	vst.idx.msk $0xffff, v13;
	v12 =	vor.u32 v16, v21  }
0x1f2: {  	v13 =	vadd.s32 v6, v14;
	v17 =	vld.idx.msk [tilespmem:v17+s22+$0x0], $0xffff  }
0x1f3: {  	v13 =	vor.u32 v16, v13;
	_ =	sdelay $0x4  }
0x1f4: {  	v14 =	vmul.f32 v17, v8;
	_ =	sdelay $0x1  }
0x1f5: {  	[tilespmem:v18+s30+$0x0] =	vst.idx.msk $0xffff, v14  }
0x1f6: {  	v14 =	vld.idx.msk [tilespmem:v20+s22+$0x0], $0xffff;
	_ =	sdelay $0x5  }
0x1f7: {  	v14 =	vmul.f32 v14, v10;
	_ =	sdelay $0x1  }
0x1f8: {  	[tilespmem:v19+s30+$0x0] =	vst.idx.msk $0xffff, v14  }
0x1f9: {  	v14 =	vld.idx.msk [tilespmem:v22+s22+$0x0], $0xffff;
	_ =	sdelay $0x5  }
0x1fa: {  	v14 =	vmul.f32 v14, v9;
	_ =	sdelay $0x1  }
0x1fb: {  	[tilespmem:v12+s30+$0x0] =	vst.idx.msk $0xffff, v14  }
0x1fc: {  	v15 =	vld.idx.msk [tilespmem:v15+s22+$0x0], $0xffff  }
0x1fd: {  	v14 =	vadd.s32 s9, v0  }
0x1fe: {  	v12 =	vand.u32 $0x7, v14  }
.Ltmp9:
0x1ff: {  	v23 =	vand.u32 $0x18, v14;
	v14 =	vor.u32 v11, v12;
	(pc) =	sbr.rel @p2 .LBB2_16-.Ltmp9, $4  }
0x200: {  	v16 =	vadd.s32 v6, v23;
	v17 =	vor.u32 $0x20, v23;
	v21 =	vor.u32 v23, v14  }
0x201: {  	v20 =	vor.u32 v12, v16;
	v19 =	vor.u32 v17, v14;
	v16 =	vadd.s32 v6, v17  }
0x202: {  	v17 =	vor.u32 $0x40, v23;
	v16 =	vor.u32 v12, v16;
	v22 =	vmul.f32 v15, v7  }
0x203: {  	v18 =	vor.u32 v17, v14;
	v17 =	vadd.s32 v6, v17;
	v15 =	vor.u32 $0x60, v23  }
0x204: {  	_ =	sdelay $0x3  }
0x205: {  	[tilespmem:v13+s30+$0x0] =	vst.idx.msk $0xffff, v22  }
0x206: {  	v13 =	vld.idx.msk [tilespmem:v21+s22+$0x0], $0xffff;
	_ =	sdelay $0x4  }
0x207: {  	v13 =	vmul.f32 v13, v8;
	_ =	sdelay $0x1  }
0x208: {  	[tilespmem:v20+s30+$0x0] =	vst.idx.msk $0xffff, v13  }
0x209: {  	v13 =	vld.idx.msk [tilespmem:v19+s22+$0x0], $0xffff;
	_ =	sdelay $0x4  }
0x20a: {  	v13 =	vmul.f32 v13, v10;
	_ =	sdelay $0x1  }
0x20b: {  	[tilespmem:v16+s30+$0x0] =	vst.idx.msk $0xffff, v13  }
0x20c: {  	v13 =	vld.idx.msk [tilespmem:v18+s22+$0x0], $0xffff;
	_ =	sdelay $0x1  }
0x20d: {  	v49 =	vor.u32 v12, v17  }
0x20e: {  	v14 =	vor.u32 v15, v14;
	_ =	sdelay $0x1  }
0x20f: {  	v13 =	vmul.f32 v13, v9;
	_ =	sdelay $0x1  }
0x210: {  	s1 =	sadd.s32 $0x1, s9;
	[tilespmem:v49+s30+$0x0] =	vst.idx.msk $0xffff, v13  }
0x211: {  	v50 =	vadd.s32 s1, v0;
	v13 =	vld.idx.msk [tilespmem:v14+s22+$0x0], $0xffff  }
0x212: {  	v51 =	vadd.s32 v6, v15;
	v52 =	vand.u32 $0x7, v50  }
0x213: {  	v53 =	vor.u32 v12, v51;
	v11 =	vor.u32 v11, v52;
	v14 =	vand.u32 $0x18, v50  }
0x214: {  	v54 =	vor.u32 v14, v11;
	_ =	sdelay $0x1  }
0x215: {  	v13 =	vmul.f32 v13, v7;
	_ =	sdelay $0x1  }
0x216: {  	[tilespmem:v53+s30+$0x0] =	vst.idx.msk $0xffff, v13  }
0x217: {  	v12 =	vld.idx.msk [tilespmem:v54+s22+$0x0], $0xffff  }
0x218: {  	v55 =	vadd.s32 v6, v14  }
0x219: {  	v56 =	vor.u32 $0x20, v14;
	v13 =	vor.u32 v52, v55  }
0x21a: {  	v57 =	vor.u32 v56, v11;
	_ =	sdelay $0x1  }
0x21b: {  	v58 =	vmul.f32 v12, v8;
	_ =	sdelay $0x1  }
0x21c: {  	[tilespmem:v13+s30+$0x0] =	vst.idx.msk $0xffff, v58  }
0x21d: {  	v8 =	vld.idx.msk [tilespmem:v57+s22+$0x0], $0xffff  }
0x21e: {  	v59 =	vadd.s32 v6, v56  }
0x21f: {  	v60 =	vor.u32 $0x40, v14;
	v12 =	vor.u32 v52, v59  }
0x220: {  	v61 =	vor.u32 v60, v11;
	_ =	sdelay $0x1  }
0x221: {  	v8 =	vmul.f32 v8, v10;
	_ =	sdelay $0x1  }
0x222: {  	[tilespmem:v12+s30+$0x0] =	vst.idx.msk $0xffff, v8  }
0x223: {  	v8 =	vld.idx.msk [tilespmem:v61+s22+$0x0], $0xffff  }
0x224: {  	v62 =	vadd.s32 v6, v60  }
0x225: {  	v63 =	vor.u32 $0x60, v14;
	v10 =	vor.u32 v52, v62  }
0x226: {  	v11 =	vor.u32 v63, v11;
	_ =	sdelay $0x1  }
0x227: {  	v8 =	vmul.f32 v8, v9;
	_ =	sdelay $0x1  }
0x228: {  	[tilespmem:v10+s30+$0x0] =	vst.idx.msk $0xffff, v8  }
0x229: {  	v8 =	vld.idx.msk [tilespmem:v11+s22+$0x0], $0xffff  }
0x22a: {  	v6 =	vadd.s32 v6, v63  }
0x22b: {  	v6 =	vor.u32 v52, v6  }
.Ltmp10:
0x22c: {  	_ = 	snop;
	(pc) =	sbr.rel @p1 .LBB2_13-.Ltmp10, $3  }
0x22d: {  	_ = 	snop  }
0x22e: {  	v7 =	vmul.f32 v8, v7;
	_ =	sdelay $0x1  }
0x22f: {  	s9 =	simm.s32 $0x10;
	p2 =	por $0x0, $0x0;
	[tilespmem:v6+s30+$0x0] =	vst.idx.msk $0xffff, v7  }
.Ltmp11:
0x230: {  	(pc) =	sbr.rel @p0 .LBB2_20-.Ltmp11, $2  }
0x231: {  	_ =	sdelay $0x2  }
0x232: {  	[spmem:s2] =	stream.indirect.scatter.add.f32 [tilespmem:s30], [sflag:$0x6], $0x90, s31, s25, $0xb8;
	[tilespmem:$0x1E590] =	vst v63  }
0x233: {  	_ =	swait.ge [sflag:s20], $0x60  }
0x234: {  	[sflag:s20] =	ssyncset.done $0x0  }
0x235: {  	[sflag:s20] =	ssyncadd.s32 $0xFFFFFFA0  }
0x236: {  	v6 =	vld [tilespmem:$0x60]  }
0x237: {  	v7 =	vld [tilespmem:$0x80];
	_ =	sdelay $0x1  }
0x238: {  	v8 =	vld [tilespmem:$0x70]  }
0x239: {  	v9 =	vld [tilespmem:$0x90]  }
0x23a: {  	v6 =	vadd.s32 v1, v6  }
0x23b: {  	[tilespmem:$0x120] =	vst v6;
	v6 =	vadd.s32 v2, v7  }
0x23c: {  	[tilespmem:$0x140] =	vst v6;
	v6 =	vadd.s32 v3, v7  }
.Ltmp12:
0x23d: {  	[tilespmem:$0x160] =	vst v6;
	v6 =	vadd.s32 v1, v8;
	(pc) =	sbr.rel .LBB2_2-.Ltmp12, $4  }
0x23e: {  	[tilespmem:$0x130] =	vst v6;
	v6 =	vadd.s32 v2, v9  }
0x23f: {  	[tilespmem:$0x150] =	vst v6;
	v6 =	vadd.s32 v3, v9  }
0x240: {  	s3 =	sadd.s32 $0x1, s3;
	[tilespmem:$0x170] =	vst v6  }
0x241: {  	[tilespmem:s22], [sflag:$0x2] =	stream.indirect.gather [hbm4b:s4+s17], $0x80, s21, s17, $0xb8;
	[tilespmem:$0x1E590] =	vst v63  }
.LBB2_21:
0x242: {  	_ =	sfence.sel $0x180000  }
0x243: {  	[bflag:$0x0] =	sbarrier.arrive $0xFFFF  }
0x244: {  	_ =	strace $0x90000047  }
0x245: {  	s0 =	stileid.u32;
	[bflag:$0x2] =	sbarrier.arrive $0xFFFF  }
0x246: {  	p0 =	sne.s32 s0, $0x0;
	s0 =	rddreg [dreg:$0x3]  }
0x247: {  	s0 =	sadd.s32 @!p0 $0x100000, s0  }
0x248: {  	[sflag:s0] =	ssyncadd.tile.s32 @!p0 $0x1;
	_ =	shalt  }
.Lfunc_end2:
_tile_overlayer_lowered:
.L_overlay_start_2:
0x249: {  	(tag) =	ssettag $0x2  }
0x24a: {  	s0 =	rddreg [dreg:$0x0];
	s2 =	stileid.u32  }
0x24b: {  	s1 =	rddreg [dreg:$0x1];
	p0 =	sne.s32 s2, $0x0  }
0x24c: {  	s3 =	rddreg [dreg:$0x2];
	[bflag:$0x3] =	sbarrier.arrive $0xFFFF;
	s2 =	simm.s32 @!p0 $0x1C07  }
0x24d: {  	[timem:s3], [sflag:s2] =	dma.local @!p0 [hbm:s0], s1  }
0x24e: {  	s0 =	simm.s32 @!p0 $0x7  }
0x24f: {  	_ =	swait.ge @!p0 [sflag:s0], s1  }
0x250: {  	s1 =	ssub.s32 @!p0 $0x0, s1;
	[sflag:s0] =	ssyncset.done @!p0 $0x0  }
0x251: {  	[sflag:s0] =	ssyncadd.s32 @!p0 s1  }
0x252: {  	[bflag:$0x3] =	sbarrier.arrive $0xFFFF  }
0x253: {  	_ =	shalt  }

</sc_bundles>
